<compile_context>
chip_gen: v7x
topology: tpu7x:2x2x1
jax: 0.10.2.dev20260603
libtpu: 0.0.44.dev20260713+nightly
codegen_flags: <defaults>
</compile_context>

<pallas_src>
import functools

import jax
import jax.numpy as jnp
from jax import lax
from jax.experimental import pallas as pl
from jax.experimental.pallas import tpu as pltpu
from jax.experimental.pallas import tpu_sc as plsc

N_NODES = 10000
N_EDGES = 320000
D_FEAT = 128
D_EDGE = 16
D_HID = 128

EPT = N_EDGES // 16
GCHUNK = 80
GNCHUNK = EPT // GCHUNK
TROWS = 624

NW = 32
EPW = N_EDGES // NW
SCHUNK = 80
SNCHUNK = EPW // SCHUNK
ACC_ROWS = 10240
RPS = ACC_ROWS // 16



def _tables_body(nodes_ref, wr_ref, ws_ref, be1_ref, p_ref):
    nb = nodes_ref[...]
    p_ref[0] = (
        jnp.dot(nb, wr_ref[...], preferred_element_type=jnp.float32)
        + be1_ref[...]
    )
    p_ref[1] = jnp.dot(nb, ws_ref[...], preferred_element_type=jnp.float32)


def _edge_body(e_ref, gr_ref, gs_ref, we_ref, we2_ref, be2_ref, ae_ref,
               out_ref):
    pre = (
        jnp.dot(e_ref[...], we_ref[...], preferred_element_type=jnp.float32)
        + gr_ref[0]
        + gs_ref[0]
    )
    h = jnp.maximum(pre, 0.0)
    out = jnp.dot(h, we2_ref[...], preferred_element_type=jnp.float32)
    out_ref[...] = (out + be2_ref[...]) * ae_ref[...]


def _node_body(p0_ref, p1_ref, nodes_ref, wa_ref,
               wn_ref, bn1_ref, wn2_ref, bn2_ref, an_ref, out_ref):
    aggr = p0_ref[...] + p1_ref[...]
    nb = nodes_ref[...]
    hn = jnp.maximum(
        jnp.dot(aggr, wa_ref[...], preferred_element_type=jnp.float32)
        + jnp.dot(nb, wn_ref[...], preferred_element_type=jnp.float32)
        + bn1_ref[...],
        0.0,
    )
    dn = jnp.dot(hn, wn2_ref[...], preferred_element_type=jnp.float32)
    out_ref[...] = nb + (dn + bn2_ref[...]) * an_ref[...]



def _gather_body(tab_hbm, idx_hbm, g_hbm,
                 spm, idx_v, buf_a, buf_b, gsem_a, gsem_b, wsem_a, wsem_b):
    cid = lax.axis_index("c")
    sid = lax.axis_index("s")
    base = sid * EPT
    pltpu.sync_copy(tab_hbm.at[cid, pl.ds(sid * TROWS, TROWS)],
                    spm.at[pl.ds(sid * TROWS, TROWS)])

    @pl.when(sid == 15)
    def _stage_tail():
        pltpu.sync_copy(tab_hbm.at[cid, pl.ds(16 * TROWS, 16)],
                        spm.at[pl.ds(16 * TROWS, 16)])

    pltpu.sync_copy(idx_hbm.at[cid, sid], idx_v)
    plsc.subcore_barrier()
    plsc.subcore_barrier()

    def fire_gather(c, buf, sem):
        pltpu.async_copy(spm.at[idx_v.at[pl.ds(c * GCHUNK, GCHUNK)]],
                         buf, sem)

    def wait_gather(buf, sem):
        pltpu.make_async_copy(spm.at[pl.ds(0, GCHUNK)], buf, sem).wait()

    def fire_write(c, buf, sem):
        pltpu.async_copy(buf, g_hbm.at[cid, pl.ds(base + c * GCHUNK, GCHUNK)],
                         sem)

    def wait_write(buf, sem):
        pltpu.make_async_copy(buf, g_hbm.at[cid, pl.ds(0, GCHUNK)],
                              sem).wait()

    fire_gather(0, buf_a, gsem_a)
    fire_gather(1, buf_b, gsem_b)

    def body(t, c):
        wait_gather(buf_a, gsem_a)
        fire_write(2 * t, buf_a, wsem_a)
        wait_gather(buf_b, gsem_b)
        fire_write(2 * t + 1, buf_b, wsem_b)
        wait_write(buf_a, wsem_a)
        fire_gather(2 * t + 2, buf_a, gsem_a)
        wait_write(buf_b, wsem_b)
        fire_gather(2 * t + 3, buf_b, gsem_b)
        return c

    lax.fori_loop(0, (GNCHUNK - 2) // 2, body, 0)
    wait_gather(buf_a, gsem_a)
    fire_write(GNCHUNK - 2, buf_a, wsem_a)
    wait_gather(buf_b, gsem_b)
    fire_write(GNCHUNK - 1, buf_b, wsem_b)
    wait_write(buf_a, wsem_a)
    wait_write(buf_b, wsem_b)


def _scatter_body(ne_hbm, ridx_hbm, zeros_hbm, part_hbm,
                  idx_v, rows_a, rows_b, acc, lsem_a, lsem_b):
    cid = lax.axis_index("c")
    sid = lax.axis_index("s")
    wid = sid * 2 + cid
    base = wid * EPW
    pltpu.sync_copy(ridx_hbm.at[wid], idx_v)
    pltpu.sync_copy(zeros_hbm, acc.at[pl.ds(sid * RPS, RPS)])
    plsc.subcore_barrier()

    def fire_load(c, buf, sem):
        pltpu.async_copy(ne_hbm.at[pl.ds(base + c * SCHUNK, SCHUNK)], buf,
                         sem)

    def wait_load(buf, sem):
        pltpu.make_async_copy(ne_hbm.at[pl.ds(0, SCHUNK)], buf, sem).wait()

    def scat(c, buf):
        pltpu.sync_copy(buf, acc.at[idx_v.at[c]], add=True)

    fire_load(0, rows_a, lsem_a)
    fire_load(1, rows_b, lsem_b)

    def body(t, c):
        wait_load(rows_a, lsem_a)
        scat(2 * t, rows_a)
        fire_load(2 * t + 2, rows_a, lsem_a)
        wait_load(rows_b, lsem_b)
        scat(2 * t + 1, rows_b)
        fire_load(2 * t + 3, rows_b, lsem_b)
        return c

    lax.fori_loop(0, (SNCHUNK - 3) // 2, body, 0)
    wait_load(rows_a, lsem_a)
    scat(SNCHUNK - 3, rows_a)
    fire_load(SNCHUNK - 1, rows_a, lsem_a)
    wait_load(rows_b, lsem_b)
    scat(SNCHUNK - 2, rows_b)
    wait_load(rows_a, lsem_a)
    scat(SNCHUNK - 1, rows_a)
    plsc.subcore_barrier()
    pltpu.sync_copy(acc.at[pl.ds(sid * RPS, RPS)],
                    part_hbm.at[cid, pl.ds(sid * RPS, RPS)])



def _full(i):
    return (0, 0)


def kernel(nodes, edges, receivers, senders, active_nodes, active_edges,
           W_e1, b_e1, W_e2, b_e2, W_n1, b_n1, W_n2, b_n2):
    recv = receivers.astype(jnp.int32)
    send = senders.astype(jnp.int32)
    W_E = W_e1[:D_EDGE]
    W_R = W_e1[D_EDGE:D_EDGE + D_FEAT]
    W_S = W_e1[D_EDGE + D_FEAT:]
    W_A = W_n1[:D_HID]
    W_N = W_n1[D_HID:]
    be1 = b_e1.reshape(1, D_HID)
    be2 = b_e2.reshape(1, D_HID)
    bn1 = b_n1.reshape(1, D_HID)
    bn2 = b_n2.reshape(1, D_FEAT)
    ae = active_edges.reshape(N_EDGES, 1)
    an = active_nodes.reshape(N_NODES, 1)

    f32 = jnp.float32
    NB = 2000
    EB = 4000

    p_tab = pl.pallas_call(
        _tables_body,
        grid=(N_NODES // NB,),
        in_specs=[
            pl.BlockSpec((NB, D_FEAT), lambda i: (i, 0)),
            pl.BlockSpec((D_FEAT, D_HID), _full),
            pl.BlockSpec((D_FEAT, D_HID), _full),
            pl.BlockSpec((1, D_HID), _full),
        ],
        out_specs=pl.BlockSpec((2, NB, D_HID), lambda i: (0, i, 0)),
        out_shape=jax.ShapeDtypeStruct((2, N_NODES, D_HID), f32),
    )(nodes, W_R, W_S, be1)

    mesh = plsc.VectorSubcoreMesh(core_axis_name="c", subcore_axis_name="s")
    idx2 = jnp.stack([recv.reshape(16, EPT), send.reshape(16, EPT)])
    gather = pl.kernel(
        _gather_body,
        out_type=jax.ShapeDtypeStruct((2, N_EDGES, D_HID), f32),
        mesh=mesh,
        scratch_types=[
            pltpu.VMEM_SHARED((N_NODES, D_HID), f32),
            pltpu.VMEM((EPT,), jnp.int32),
            pltpu.VMEM((GCHUNK, D_HID), f32),
            pltpu.VMEM((GCHUNK, D_HID), f32),
            pltpu.SemaphoreType.DMA,
            pltpu.SemaphoreType.DMA,
            pltpu.SemaphoreType.DMA,
            pltpu.SemaphoreType.DMA,
        ],
    )
    g = gather(p_tab, idx2)

    new_edges = pl.pallas_call(
        _edge_body,
        grid=(N_EDGES // EB,),
        in_specs=[
            pl.BlockSpec((EB, D_EDGE), lambda i: (i, 0)),
            pl.BlockSpec((1, EB, D_HID), lambda i: (0, i, 0)),
            pl.BlockSpec((1, EB, D_HID), lambda i: (1, i, 0)),
            pl.BlockSpec((D_EDGE, D_HID), _full),
            pl.BlockSpec((D_HID, D_HID), _full),
            pl.BlockSpec((1, D_HID), _full),
            pl.BlockSpec((EB, 1), lambda i: (i, 0)),
        ],
        out_specs=pl.BlockSpec((EB, D_HID), lambda i: (i, 0)),
        out_shape=jax.ShapeDtypeStruct((N_EDGES, D_HID), f32),
    )(edges, g, g, W_E, W_e2, be2, ae)

    scatter = pl.kernel(
        _scatter_body,
        out_type=jax.ShapeDtypeStruct((2, ACC_ROWS, D_HID), f32),
        mesh=mesh,
        scratch_types=[
            pltpu.VMEM((SNCHUNK, SCHUNK), jnp.int32),
            pltpu.VMEM((SCHUNK, D_HID), f32),
            pltpu.VMEM((SCHUNK, D_HID), f32),
            pltpu.VMEM_SHARED((ACC_ROWS, D_HID), f32),
            pltpu.SemaphoreType.DMA,
            pltpu.SemaphoreType.DMA,
        ],
    )
    part = scatter(new_edges, recv.reshape(NW, SNCHUNK, SCHUNK),
                   jnp.zeros((RPS, D_HID), f32))

    new_nodes = pl.pallas_call(
        _node_body,
        grid=(N_NODES // NB,),
        in_specs=[
            pl.BlockSpec((NB, D_HID), lambda i: (i, 0)),
            pl.BlockSpec((NB, D_HID), lambda i: (i, 0)),
            pl.BlockSpec((NB, D_FEAT), lambda i: (i, 0)),
            pl.BlockSpec((D_HID, D_HID), _full),
            pl.BlockSpec((D_FEAT, D_HID), _full),
            pl.BlockSpec((1, D_HID), _full),
            pl.BlockSpec((D_HID, D_FEAT), _full),
            pl.BlockSpec((1, D_FEAT), _full),
            pl.BlockSpec((NB, 1), lambda i: (i, 0)),
        ],
        out_specs=pl.BlockSpec((NB, D_FEAT), lambda i: (i, 0)),
        out_shape=jax.ShapeDtypeStruct((N_NODES, D_FEAT), f32),
    )(part[0, :N_NODES], part[1, :N_NODES], nodes, W_A, W_N, bn1, W_n2,
      bn2, an)

    return (new_nodes, new_edges)

# --- scband reference (transcript-rebuilt; emitter-appended) ---
"""Pipeline reference for scband-gnn-81664508166411 (READ-ONLY COPY).

The authoritative reference and input builder live on the scoring server;
editing this copy changes nothing except your own understanding.
"""

import jax, jax.numpy as jnp
import numpy as np

N_NODES = 10000
N_EDGES = 320000
D_FEAT = 128
D_EDGE = 16
D_HIDDEN = 128


def setup_inputs(seed: int = 0) -> dict:
    key = jax.random.key(seed)
    ks = jax.random.split(key, 12)
    nodes = jax.random.normal(ks[0], (N_NODES, D_FEAT), dtype=jnp.float32)
    edges = jax.random.normal(ks[1], (N_EDGES, D_EDGE), dtype=jnp.float32)
    receivers = jax.random.randint(ks[2], (N_EDGES,), 0, N_NODES, dtype=jnp.int32).astype(jnp.int64)
    senders = jax.random.randint(ks[3], (N_EDGES,), 0, N_NODES, dtype=jnp.int32).astype(jnp.int64)
    active_nodes = jnp.ones((N_NODES,), dtype=jnp.float32)
    active_edges = jnp.ones((N_EDGES,), dtype=jnp.float32)
    # edge_fn: MLP (D_EDGE + 2*D_FEAT) -> D_HIDDEN -> D_HIDDEN
    e_in = D_EDGE + 2 * D_FEAT
    W_e1 = jax.random.normal(ks[4], (e_in, D_HIDDEN), dtype=jnp.float32) * (1.0 / np.sqrt(e_in))
    b_e1 = jnp.zeros((D_HIDDEN,), dtype=jnp.float32)
    W_e2 = jax.random.normal(ks[5], (D_HIDDEN, D_HIDDEN), dtype=jnp.float32) * (1.0 / np.sqrt(D_HIDDEN))
    b_e2 = jnp.zeros((D_HIDDEN,), dtype=jnp.float32)
    # node_fn: MLP (D_HIDDEN + D_FEAT) -> D_HIDDEN -> D_FEAT
    n_in = D_HIDDEN + D_FEAT
    W_n1 = jax.random.normal(ks[6], (n_in, D_HIDDEN), dtype=jnp.float32) * (1.0 / np.sqrt(n_in))
    b_n1 = jnp.zeros((D_HIDDEN,), dtype=jnp.float32)
    W_n2 = jax.random.normal(ks[7], (D_HIDDEN, D_FEAT), dtype=jnp.float32) * (1.0 / np.sqrt(D_HIDDEN))
    b_n2 = jnp.zeros((D_FEAT,), dtype=jnp.float32)
    return {
        "nodes": nodes, "edges": edges,
        "receivers": receivers, "senders": senders,
        "active_nodes": active_nodes, "active_edges": active_edges,
        "W_e1": W_e1, "b_e1": b_e1, "W_e2": W_e2, "b_e2": b_e2,
        "W_n1": W_n1, "b_n1": b_n1, "W_n2": W_n2, "b_n2": b_n2,
    }


def reference(nodes, edges, receivers, senders, active_nodes, active_edges,
              W_e1, b_e1, W_e2, b_e2, W_n1, b_n1, W_n2, b_n2):
    n_nodes = nodes.shape[0]
    # 1. Update edges: eij' = edge_fn(eij || h_recv || h_send)
    nodes_senders = jnp.take(nodes, senders, axis=0)
    nodes_receivers = jnp.take(nodes, receivers, axis=0)
    e_in = jnp.concatenate([edges, nodes_receivers, nodes_senders], axis=-1)
    h = jax.nn.relu(e_in @ W_e1 + b_e1)
    new_edges = h @ W_e2 + b_e2
    new_edges = new_edges * active_edges[:, None]
    # 2. Aggregate edges to receiver nodes
    aggr_edges = jax.ops.segment_sum(new_edges, receivers, num_segments=n_nodes)
    # 3. Update nodes: hi' = node_fn(aggr || hi)
    n_in = jnp.concatenate([aggr_edges, nodes], axis=-1)
    hn = jax.nn.relu(n_in @ W_n1 + b_n1)
    dnodes = hn @ W_n2 + b_n2
    dnodes = dnodes * active_nodes[:, None]
    new_nodes = nodes + dnodes  # residual=True
    return (new_nodes, new_edges)

if __name__ == "__main__":
    import jax
    _d = setup_inputs()
    print(jax.jit(kernel)(*tuple(_d.values())))

</pallas_src>

<mosaic_0001>
#map = affine_map<(d0, d1) -> (0, 0, 0)>
module attributes {stable_mosaic.version = 14 : i64} {
  func.func @_gather_body(%arg0: i32, %arg1: i32, %arg2: memref<2x10000x128xf32, #tpu.memory_space<hbm>>, %arg3: memref<2x16x20000xi32, #tpu.memory_space<hbm>>, %arg4: memref<2x320000x128xf32, #tpu.memory_space<hbm>>, %arg5: memref<10000x128xf32, #tpu.memory_space<vmem_shared>>, %arg6: memref<20000xi32, #tpu.memory_space<vmem>>, %arg7: memref<80x128xf32, #tpu.memory_space<vmem>>, %arg8: memref<80x128xf32, #tpu.memory_space<vmem>>, %arg9: memref<!tpu.dma_semaphore, #tpu.memory_space<semaphore_mem>>, %arg10: memref<!tpu.dma_semaphore, #tpu.memory_space<semaphore_mem>>, %arg11: memref<!tpu.dma_semaphore, #tpu.memory_space<semaphore_mem>>, %arg12: memref<!tpu.dma_semaphore, #tpu.memory_space<semaphore_mem>>) attributes {dimension_semantics = [#tpu.dimension_semantics<core_parallel>, #tpu.dimension_semantics<subcore_parallel>], iteration_bounds = array<i64: 2, 16>, scalar_prefetch = 0 : i64, scratch_operands = 8 : i64, tpu.core_type = #tpu.core_type<sc_vector_subcore>, window_params = [{transform_indices = #map}, {transform_indices = #map}, {transform_indices = #map}]} {
    %mul3A = arith.constant 20000 : i32
    %mul3A_0 = arith.muli %arg1, %mul3A : i32
    %mul3A_1 = arith.constant 624 : i32
    %mul3A_2 = arith.muli %arg1, %mul3A_1 : i32
    %mul3A_3 = arith.constant 624 : i32
    %mul3A_4 = arith.muli %arg1, %mul3A_3 : i32
    "tpu.region"() ({
      %run_scoped3A = tpu.sem_alloc : memref<!tpu.dma_semaphore, #tpu.memory_space<semaphore_mem>>
      %dma_start3A_64 = arith.constant 0 : i32
      %dma_start3A_65 = tpu.memref_slice %arg5[%mul3A_4, %dma_start3A_64] : memref<10000x128xf32, #tpu.memory_space<vmem_shared>> -> memref<624x128xf32, #tpu.memory_space<vmem_shared>>
      %dma_start3A_66 = arith.constant 0 : i32
      %dma_start3A_67 = tpu.memref_slice %arg2[%arg0, %mul3A_2, %dma_start3A_66] : memref<2x10000x128xf32, #tpu.memory_space<hbm>> -> memref<1x624x128xf32, #tpu.memory_space<hbm>>
      %dma_start3A_68 = tpu.memref_squeeze %dma_start3A_67 : memref<1x624x128xf32, #tpu.memory_space<hbm>> -> memref<624x128xf32, #tpu.memory_space<hbm>>
      tpu.enqueue_dma source(%dma_start3A_68 : memref<624x128xf32, #tpu.memory_space<hbm>>) target(%dma_start3A_65 : memref<624x128xf32, #tpu.memory_space<vmem_shared>>) target_semaphore(%run_scoped3A : memref<!tpu.dma_semaphore, #tpu.memory_space<semaphore_mem>>)
      %dma_wait3A_69 = arith.constant 0 : i32
      %dma_wait3A_70 = tpu.memref_slice %arg5[%mul3A_4, %dma_wait3A_69] : memref<10000x128xf32, #tpu.memory_space<vmem_shared>> -> memref<624x128xf32, #tpu.memory_space<vmem_shared>>
      %dma_wait3A_71 = arith.constant 0 : i32
      %dma_wait3A_72 = tpu.memref_slice %arg2[%arg0, %mul3A_2, %dma_wait3A_71] : memref<2x10000x128xf32, #tpu.memory_space<hbm>> -> memref<1x624x128xf32, #tpu.memory_space<hbm>>
      %dma_wait3A_73 = tpu.memref_squeeze %dma_wait3A_72 : memref<1x624x128xf32, #tpu.memory_space<hbm>> -> memref<624x128xf32, #tpu.memory_space<hbm>>
      tpu.wait_dma2 semaphore(%run_scoped3A : memref<!tpu.dma_semaphore, #tpu.memory_space<semaphore_mem>>) src(%dma_wait3A_73 : memref<624x128xf32, #tpu.memory_space<hbm>>) dst(%dma_wait3A_70 : memref<624x128xf32, #tpu.memory_space<vmem_shared>>)
      tpu.yield
    }) : () -> ()
    %eq3A = arith.constant 15 : i32
    %eq3A_5 = arith.cmpi eq, %arg1, %eq3A : i32
    %convert_element_type3A = arith.extui %eq3A_5 : i1 to i32
    %cond3A = arith.constant 0 : i32
    %cond3A_6 = arith.cmpi ne, %convert_element_type3A, %cond3A : i32
    scf.if %cond3A_6 {
      "tpu.region"() ({
        %run_scoped3A = tpu.sem_alloc : memref<!tpu.dma_semaphore, #tpu.memory_space<semaphore_mem>>
        %dma_start3A_64 = arith.constant 9984 : i32
        %dma_start3A_65 = arith.constant 0 : i32
        %dma_start3A_66 = tpu.memref_slice %arg5[%dma_start3A_64, %dma_start3A_65] : memref<10000x128xf32, #tpu.memory_space<vmem_shared>> -> memref<16x128xf32, #tpu.memory_space<vmem_shared>>
        %dma_start3A_67 = arith.constant 9984 : i32
        %dma_start3A_68 = arith.constant 0 : i32
        %dma_start3A_69 = tpu.memref_slice %arg2[%arg0, %dma_start3A_67, %dma_start3A_68] : memref<2x10000x128xf32, #tpu.memory_space<hbm>> -> memref<1x16x128xf32, #tpu.memory_space<hbm>>
        %dma_start3A_70 = tpu.memref_squeeze %dma_start3A_69 : memref<1x16x128xf32, #tpu.memory_space<hbm>> -> memref<16x128xf32, #tpu.memory_space<hbm>>
        tpu.enqueue_dma source(%dma_start3A_70 : memref<16x128xf32, #tpu.memory_space<hbm>>) target(%dma_start3A_66 : memref<16x128xf32, #tpu.memory_space<vmem_shared>>) target_semaphore(%run_scoped3A : memref<!tpu.dma_semaphore, #tpu.memory_space<semaphore_mem>>)
        %dma_wait3A_71 = arith.constant 9984 : i32
        %dma_wait3A_72 = arith.constant 0 : i32
        %dma_wait3A_73 = tpu.memref_slice %arg5[%dma_wait3A_71, %dma_wait3A_72] : memref<10000x128xf32, #tpu.memory_space<vmem_shared>> -> memref<16x128xf32, #tpu.memory_space<vmem_shared>>
        %dma_wait3A_74 = arith.constant 9984 : i32
        %dma_wait3A_75 = arith.constant 0 : i32
        %dma_wait3A_76 = tpu.memref_slice %arg2[%arg0, %dma_wait3A_74, %dma_wait3A_75] : memref<2x10000x128xf32, #tpu.memory_space<hbm>> -> memref<1x16x128xf32, #tpu.memory_space<hbm>>
        %dma_wait3A_77 = tpu.memref_squeeze %dma_wait3A_76 : memref<1x16x128xf32, #tpu.memory_space<hbm>> -> memref<16x128xf32, #tpu.memory_space<hbm>>
        tpu.wait_dma2 semaphore(%run_scoped3A : memref<!tpu.dma_semaphore, #tpu.memory_space<semaphore_mem>>) src(%dma_wait3A_77 : memref<16x128xf32, #tpu.memory_space<hbm>>) dst(%dma_wait3A_73 : memref<16x128xf32, #tpu.memory_space<vmem_shared>>)
        tpu.yield
      }) : () -> ()
    } else {
    }
    "tpu.region"() ({
      %run_scoped3A = tpu.sem_alloc : memref<!tpu.dma_semaphore, #tpu.memory_space<semaphore_mem>>
      %dma_start3A_64 = arith.constant 0 : i32
      %dma_start3A_65 = tpu.memref_slice %arg3[%arg0, %arg1, %dma_start3A_64] : memref<2x16x20000xi32, #tpu.memory_space<hbm>> -> memref<1x1x20000xi32, #tpu.memory_space<hbm>>
      %dma_start3A_66 = tpu.memref_squeeze %dma_start3A_65 : memref<1x1x20000xi32, #tpu.memory_space<hbm>> -> memref<20000xi32, #tpu.memory_space<hbm>>
      %dma_start3A_67 = arith.constant 0 : i32
      %dma_start3A_68 = tpu.memref_slice %arg3[%arg0, %arg1, %dma_start3A_67] : memref<2x16x20000xi32, #tpu.memory_space<hbm>> -> memref<1x1x20000xi32, #tpu.memory_space<hbm>>
      %dma_start3A_69 = tpu.memref_squeeze %dma_start3A_68 : memref<1x1x20000xi32, #tpu.memory_space<hbm>> -> memref<20000xi32, #tpu.memory_space<hbm>>
      tpu.enqueue_dma source(%dma_start3A_69 : memref<20000xi32, #tpu.memory_space<hbm>>) target(%arg6 : memref<20000xi32, #tpu.memory_space<vmem>>) target_semaphore(%run_scoped3A : memref<!tpu.dma_semaphore, #tpu.memory_space<semaphore_mem>>)
      %dma_wait3A_70 = arith.constant 0 : i32
      %dma_wait3A_71 = tpu.memref_slice %arg3[%arg0, %arg1, %dma_wait3A_70] : memref<2x16x20000xi32, #tpu.memory_space<hbm>> -> memref<1x1x20000xi32, #tpu.memory_space<hbm>>
      %dma_wait3A_72 = tpu.memref_squeeze %dma_wait3A_71 : memref<1x1x20000xi32, #tpu.memory_space<hbm>> -> memref<20000xi32, #tpu.memory_space<hbm>>
      %dma_wait3A_73 = arith.constant 0 : i32
      %dma_wait3A_74 = tpu.memref_slice %arg3[%arg0, %arg1, %dma_wait3A_73] : memref<2x16x20000xi32, #tpu.memory_space<hbm>> -> memref<1x1x20000xi32, #tpu.memory_space<hbm>>
      %dma_wait3A_75 = tpu.memref_squeeze %dma_wait3A_74 : memref<1x1x20000xi32, #tpu.memory_space<hbm>> -> memref<20000xi32, #tpu.memory_space<hbm>>
      tpu.wait_dma2 semaphore(%run_scoped3A : memref<!tpu.dma_semaphore, #tpu.memory_space<semaphore_mem>>) src(%dma_wait3A_75 : memref<20000xi32, #tpu.memory_space<hbm>>) dst(%arg6 : memref<20000xi32, #tpu.memory_space<vmem>>)
      tpu.yield
    }) : () -> ()
    %barrier3A = arith.constant 0 : index
    tpu.barrier barrier_id(%barrier3A)
    %barrier3A_7 = arith.constant 0 : index
    tpu.barrier barrier_id(%barrier3A_7)
    %dma_start3A = arith.constant 0 : i32
    %dma_start3A_8 = tpu.memref_slice %arg6[%dma_start3A] : memref<20000xi32, #tpu.memory_space<vmem>> -> memref<80xi32, #tpu.memory_space<vmem>>
    %dma_start3A_9 = arith.constant 0 : i32
    %dma_start3A_10 = arith.constant 0 : i32
    %dma_start3A_11 = tpu.memref_slice %arg5[%dma_start3A_9, %dma_start3A_10] : memref<10000x128xf32, #tpu.memory_space<vmem_shared>> -> memref<10000x128xf32, #tpu.memory_space<vmem_shared>>
    tpu.enqueue_indirect_dma source(%dma_start3A_11 : memref<10000x128xf32, #tpu.memory_space<vmem_shared>>) target(%arg7 : memref<80x128xf32, #tpu.memory_space<vmem>>) offsets(%dma_start3A_8 : memref<80xi32, #tpu.memory_space<vmem>>) semaphore(%arg9 : memref<!tpu.dma_semaphore, #tpu.memory_space<semaphore_mem>>)
    %dma_start3A_12 = arith.constant 80 : i32
    %dma_start3A_13 = tpu.memref_slice %arg6[%dma_start3A_12] : memref<20000xi32, #tpu.memory_space<vmem>> -> memref<80xi32, #tpu.memory_space<vmem>>
    %dma_start3A_14 = arith.constant 0 : i32
    %dma_start3A_15 = arith.constant 0 : i32
    %dma_start3A_16 = tpu.memref_slice %arg5[%dma_start3A_14, %dma_start3A_15] : memref<10000x128xf32, #tpu.memory_space<vmem_shared>> -> memref<10000x128xf32, #tpu.memory_space<vmem_shared>>
    tpu.enqueue_indirect_dma source(%dma_start3A_16 : memref<10000x128xf32, #tpu.memory_space<vmem_shared>>) target(%arg8 : memref<80x128xf32, #tpu.memory_space<vmem>>) offsets(%dma_start3A_13 : memref<80xi32, #tpu.memory_space<vmem>>) semaphore(%arg10 : memref<!tpu.dma_semaphore, #tpu.memory_space<semaphore_mem>>)
    %scan3A = arith.constant 0 : i32
    %scan3A_17 = arith.constant 0 : i32
    %scan3A_18 = arith.constant 124 : i32
    %scan3A_19 = arith.addi %scan3A_17, %scan3A_18 : i32
    %scan3A_20 = arith.constant 1 : i32
    scf.for %scan3A_64 = %scan3A_17 to %scan3A_19 step %scan3A_20  : i32 {
      %dma_wait3A_65 = arith.constant 0 : i32
      %dma_wait3A_66 = arith.constant 0 : i32
      %dma_wait3A_67 = tpu.memref_slice %arg5[%dma_wait3A_65, %dma_wait3A_66] : memref<10000x128xf32, #tpu.memory_space<vmem_shared>> -> memref<80x128xf32, #tpu.memory_space<vmem_shared>>
      %dma_wait3A_68 = arith.constant 0 : i32
      %dma_wait3A_69 = arith.constant 0 : i32
      %dma_wait3A_70 = tpu.memref_slice %arg5[%dma_wait3A_68, %dma_wait3A_69] : memref<10000x128xf32, #tpu.memory_space<vmem_shared>> -> memref<80x128xf32, #tpu.memory_space<vmem_shared>>
      tpu.wait_dma2 semaphore(%arg9 : memref<!tpu.dma_semaphore, #tpu.memory_space<semaphore_mem>>) src(%dma_wait3A_70 : memref<80x128xf32, #tpu.memory_space<vmem_shared>>) dst(%arg7 : memref<80x128xf32, #tpu.memory_space<vmem>>)
      %mul3A_71 = arith.constant 2 : i32
      %mul3A_72 = arith.muli %mul3A_71, %scan3A_64 : i32
      %mul3A_73 = arith.constant 80 : i32
      %mul3A_74 = arith.muli %mul3A_72, %mul3A_73 : i32
      %add3A_75 = arith.addi %mul3A_0, %mul3A_74 : i32
      %dma_start3A_76 = arith.constant 0 : i32
      %dma_start3A_77 = tpu.memref_slice %arg4[%arg0, %add3A_75, %dma_start3A_76] : memref<2x320000x128xf32, #tpu.memory_space<hbm>> -> memref<1x80x128xf32, #tpu.memory_space<hbm>>
      %dma_start3A_78 = tpu.memref_squeeze %dma_start3A_77 : memref<1x80x128xf32, #tpu.memory_space<hbm>> -> memref<80x128xf32, #tpu.memory_space<hbm>>
      %dma_start3A_79 = arith.constant 0 : i32
      %dma_start3A_80 = tpu.memref_slice %arg4[%arg0, %add3A_75, %dma_start3A_79] : memref<2x320000x128xf32, #tpu.memory_space<hbm>> -> memref<1x80x128xf32, #tpu.memory_space<hbm>>
      %dma_start3A_81 = tpu.memref_squeeze %dma_start3A_80 : memref<1x80x128xf32, #tpu.memory_space<hbm>> -> memref<80x128xf32, #tpu.memory_space<hbm>>
      tpu.enqueue_dma source(%arg7 : memref<80x128xf32, #tpu.memory_space<vmem>>) target(%dma_start3A_81 : memref<80x128xf32, #tpu.memory_space<hbm>>) target_semaphore(%arg11 : memref<!tpu.dma_semaphore, #tpu.memory_space<semaphore_mem>>)
      %dma_wait3A_82 = arith.constant 0 : i32
      %dma_wait3A_83 = arith.constant 0 : i32
      %dma_wait3A_84 = tpu.memref_slice %arg5[%dma_wait3A_82, %dma_wait3A_83] : memref<10000x128xf32, #tpu.memory_space<vmem_shared>> -> memref<80x128xf32, #tpu.memory_space<vmem_shared>>
      %dma_wait3A_85 = arith.constant 0 : i32
      %dma_wait3A_86 = arith.constant 0 : i32
      %dma_wait3A_87 = tpu.memref_slice %arg5[%dma_wait3A_85, %dma_wait3A_86] : memref<10000x128xf32, #tpu.memory_space<vmem_shared>> -> memref<80x128xf32, #tpu.memory_space<vmem_shared>>
      tpu.wait_dma2 semaphore(%arg10 : memref<!tpu.dma_semaphore, #tpu.memory_space<semaphore_mem>>) src(%dma_wait3A_87 : memref<80x128xf32, #tpu.memory_space<vmem_shared>>) dst(%arg8 : memref<80x128xf32, #tpu.memory_space<vmem>>)
      %mul3A_88 = arith.constant 2 : i32
      %mul3A_89 = arith.muli %mul3A_88, %scan3A_64 : i32
      %add3A_90 = arith.constant 1 : i32
      %add3A_91 = arith.addi %mul3A_89, %add3A_90 : i32
      %mul3A_92 = arith.constant 80 : i32
      %mul3A_93 = arith.muli %add3A_91, %mul3A_92 : i32
      %add3A_94 = arith.addi %mul3A_0, %mul3A_93 : i32
      %dma_start3A_95 = arith.constant 0 : i32
      %dma_start3A_96 = tpu.memref_slice %arg4[%arg0, %add3A_94, %dma_start3A_95] : memref<2x320000x128xf32, #tpu.memory_space<hbm>> -> memref<1x80x128xf32, #tpu.memory_space<hbm>>
      %dma_start3A_97 = tpu.memref_squeeze %dma_start3A_96 : memref<1x80x128xf32, #tpu.memory_space<hbm>> -> memref<80x128xf32, #tpu.memory_space<hbm>>
      %dma_start3A_98 = arith.constant 0 : i32
      %dma_start3A_99 = tpu.memref_slice %arg4[%arg0, %add3A_94, %dma_start3A_98] : memref<2x320000x128xf32, #tpu.memory_space<hbm>> -> memref<1x80x128xf32, #tpu.memory_space<hbm>>
      %dma_start3A_100 = tpu.memref_squeeze %dma_start3A_99 : memref<1x80x128xf32, #tpu.memory_space<hbm>> -> memref<80x128xf32, #tpu.memory_space<hbm>>
      tpu.enqueue_dma source(%arg8 : memref<80x128xf32, #tpu.memory_space<vmem>>) target(%dma_start3A_100 : memref<80x128xf32, #tpu.memory_space<hbm>>) target_semaphore(%arg12 : memref<!tpu.dma_semaphore, #tpu.memory_space<semaphore_mem>>)
      %dma_wait3A_101 = arith.constant 0 : i32
      %dma_wait3A_102 = arith.constant 0 : i32
      %dma_wait3A_103 = tpu.memref_slice %arg4[%arg0, %dma_wait3A_101, %dma_wait3A_102] : memref<2x320000x128xf32, #tpu.memory_space<hbm>> -> memref<1x80x128xf32, #tpu.memory_space<hbm>>
      %dma_wait3A_104 = tpu.memref_squeeze %dma_wait3A_103 : memref<1x80x128xf32, #tpu.memory_space<hbm>> -> memref<80x128xf32, #tpu.memory_space<hbm>>
      %dma_wait3A_105 = arith.constant 0 : i32
      %dma_wait3A_106 = arith.constant 0 : i32
      %dma_wait3A_107 = tpu.memref_slice %arg4[%arg0, %dma_wait3A_105, %dma_wait3A_106] : memref<2x320000x128xf32, #tpu.memory_space<hbm>> -> memref<1x80x128xf32, #tpu.memory_space<hbm>>
      %dma_wait3A_108 = tpu.memref_squeeze %dma_wait3A_107 : memref<1x80x128xf32, #tpu.memory_space<hbm>> -> memref<80x128xf32, #tpu.memory_space<hbm>>
      tpu.wait_dma2 semaphore(%arg11 : memref<!tpu.dma_semaphore, #tpu.memory_space<semaphore_mem>>) src(%arg7 : memref<80x128xf32, #tpu.memory_space<vmem>>) dst(%dma_wait3A_108 : memref<80x128xf32, #tpu.memory_space<hbm>>)
      %mul3A_109 = arith.constant 2 : i32
      %mul3A_110 = arith.muli %mul3A_109, %scan3A_64 : i32
      %add3A_111 = arith.constant 2 : i32
      %add3A_112 = arith.addi %mul3A_110, %add3A_111 : i32
      %mul3A_113 = arith.constant 80 : i32
      %mul3A_114 = arith.muli %add3A_112, %mul3A_113 : i32
      %dma_start3A_115 = tpu.memref_slice %arg6[%mul3A_114] : memref<20000xi32, #tpu.memory_space<vmem>> -> memref<80xi32, #tpu.memory_space<vmem>>
      %dma_start3A_116 = arith.constant 0 : i32
      %dma_start3A_117 = arith.constant 0 : i32
      %dma_start3A_118 = tpu.memref_slice %arg5[%dma_start3A_116, %dma_start3A_117] : memref<10000x128xf32, #tpu.memory_space<vmem_shared>> -> memref<10000x128xf32, #tpu.memory_space<vmem_shared>>
      tpu.enqueue_indirect_dma source(%dma_start3A_118 : memref<10000x128xf32, #tpu.memory_space<vmem_shared>>) target(%arg7 : memref<80x128xf32, #tpu.memory_space<vmem>>) offsets(%dma_start3A_115 : memref<80xi32, #tpu.memory_space<vmem>>) semaphore(%arg9 : memref<!tpu.dma_semaphore, #tpu.memory_space<semaphore_mem>>)
      %dma_wait3A_119 = arith.constant 0 : i32
      %dma_wait3A_120 = arith.constant 0 : i32
      %dma_wait3A_121 = tpu.memref_slice %arg4[%arg0, %dma_wait3A_119, %dma_wait3A_120] : memref<2x320000x128xf32, #tpu.memory_space<hbm>> -> memref<1x80x128xf32, #tpu.memory_space<hbm>>
      %dma_wait3A_122 = tpu.memref_squeeze %dma_wait3A_121 : memref<1x80x128xf32, #tpu.memory_space<hbm>> -> memref<80x128xf32, #tpu.memory_space<hbm>>
      %dma_wait3A_123 = arith.constant 0 : i32
      %dma_wait3A_124 = arith.constant 0 : i32
      %dma_wait3A_125 = tpu.memref_slice %arg4[%arg0, %dma_wait3A_123, %dma_wait3A_124] : memref<2x320000x128xf32, #tpu.memory_space<hbm>> -> memref<1x80x128xf32, #tpu.memory_space<hbm>>
      %dma_wait3A_126 = tpu.memref_squeeze %dma_wait3A_125 : memref<1x80x128xf32, #tpu.memory_space<hbm>> -> memref<80x128xf32, #tpu.memory_space<hbm>>
      tpu.wait_dma2 semaphore(%arg12 : memref<!tpu.dma_semaphore, #tpu.memory_space<semaphore_mem>>) src(%arg8 : memref<80x128xf32, #tpu.memory_space<vmem>>) dst(%dma_wait3A_126 : memref<80x128xf32, #tpu.memory_space<hbm>>)
      %mul3A_127 = arith.constant 2 : i32
      %mul3A_128 = arith.muli %mul3A_127, %scan3A_64 : i32
      %add3A_129 = arith.constant 3 : i32
      %add3A_130 = arith.addi %mul3A_128, %add3A_129 : i32
      %mul3A_131 = arith.constant 80 : i32
      %mul3A_132 = arith.muli %add3A_130, %mul3A_131 : i32
      %dma_start3A_133 = tpu.memref_slice %arg6[%mul3A_132] : memref<20000xi32, #tpu.memory_space<vmem>> -> memref<80xi32, #tpu.memory_space<vmem>>
      %dma_start3A_134 = arith.constant 0 : i32
      %dma_start3A_135 = arith.constant 0 : i32
      %dma_start3A_136 = tpu.memref_slice %arg5[%dma_start3A_134, %dma_start3A_135] : memref<10000x128xf32, #tpu.memory_space<vmem_shared>> -> memref<10000x128xf32, #tpu.memory_space<vmem_shared>>
      tpu.enqueue_indirect_dma source(%dma_start3A_136 : memref<10000x128xf32, #tpu.memory_space<vmem_shared>>) target(%arg8 : memref<80x128xf32, #tpu.memory_space<vmem>>) offsets(%dma_start3A_133 : memref<80xi32, #tpu.memory_space<vmem>>) semaphore(%arg10 : memref<!tpu.dma_semaphore, #tpu.memory_space<semaphore_mem>>)
    }
    %scan3A_21 = arith.constant 124 : i32
    %dma_wait3A = arith.constant 0 : i32
    %dma_wait3A_22 = arith.constant 0 : i32
    %dma_wait3A_23 = tpu.memref_slice %arg5[%dma_wait3A, %dma_wait3A_22] : memref<10000x128xf32, #tpu.memory_space<vmem_shared>> -> memref<80x128xf32, #tpu.memory_space<vmem_shared>>
    %dma_wait3A_24 = arith.constant 0 : i32
    %dma_wait3A_25 = arith.constant 0 : i32
    %dma_wait3A_26 = tpu.memref_slice %arg5[%dma_wait3A_24, %dma_wait3A_25] : memref<10000x128xf32, #tpu.memory_space<vmem_shared>> -> memref<80x128xf32, #tpu.memory_space<vmem_shared>>
    tpu.wait_dma2 semaphore(%arg9 : memref<!tpu.dma_semaphore, #tpu.memory_space<semaphore_mem>>) src(%dma_wait3A_26 : memref<80x128xf32, #tpu.memory_space<vmem_shared>>) dst(%arg7 : memref<80x128xf32, #tpu.memory_space<vmem>>)
    %add3A = arith.constant 19840 : i32
    %add3A_27 = arith.addi %mul3A_0, %add3A : i32
    %dma_start3A_28 = arith.constant 0 : i32
    %dma_start3A_29 = tpu.memref_slice %arg4[%arg0, %add3A_27, %dma_start3A_28] : memref<2x320000x128xf32, #tpu.memory_space<hbm>> -> memref<1x80x128xf32, #tpu.memory_space<hbm>>
    %dma_start3A_30 = tpu.memref_squeeze %dma_start3A_29 : memref<1x80x128xf32, #tpu.memory_space<hbm>> -> memref<80x128xf32, #tpu.memory_space<hbm>>
    %dma_start3A_31 = arith.constant 0 : i32
    %dma_start3A_32 = tpu.memref_slice %arg4[%arg0, %add3A_27, %dma_start3A_31] : memref<2x320000x128xf32, #tpu.memory_space<hbm>> -> memref<1x80x128xf32, #tpu.memory_space<hbm>>
    %dma_start3A_33 = tpu.memref_squeeze %dma_start3A_32 : memref<1x80x128xf32, #tpu.memory_space<hbm>> -> memref<80x128xf32, #tpu.memory_space<hbm>>
    tpu.enqueue_dma source(%arg7 : memref<80x128xf32, #tpu.memory_space<vmem>>) target(%dma_start3A_33 : memref<80x128xf32, #tpu.memory_space<hbm>>) target_semaphore(%arg11 : memref<!tpu.dma_semaphore, #tpu.memory_space<semaphore_mem>>)
    %dma_wait3A_34 = arith.constant 0 : i32
    %dma_wait3A_35 = arith.constant 0 : i32
    %dma_wait3A_36 = tpu.memref_slice %arg5[%dma_wait3A_34, %dma_wait3A_35] : memref<10000x128xf32, #tpu.memory_space<vmem_shared>> -> memref<80x128xf32, #tpu.memory_space<vmem_shared>>
    %dma_wait3A_37 = arith.constant 0 : i32
    %dma_wait3A_38 = arith.constant 0 : i32
    %dma_wait3A_39 = tpu.memref_slice %arg5[%dma_wait3A_37, %dma_wait3A_38] : memref<10000x128xf32, #tpu.memory_space<vmem_shared>> -> memref<80x128xf32, #tpu.memory_space<vmem_shared>>
    tpu.wait_dma2 semaphore(%arg10 : memref<!tpu.dma_semaphore, #tpu.memory_space<semaphore_mem>>) src(%dma_wait3A_39 : memref<80x128xf32, #tpu.memory_space<vmem_shared>>) dst(%arg8 : memref<80x128xf32, #tpu.memory_space<vmem>>)
    %add3A_40 = arith.constant 19920 : i32
    %add3A_41 = arith.addi %mul3A_0, %add3A_40 : i32
    %dma_start3A_42 = arith.constant 0 : i32
    %dma_start3A_43 = tpu.memref_slice %arg4[%arg0, %add3A_41, %dma_start3A_42] : memref<2x320000x128xf32, #tpu.memory_space<hbm>> -> memref<1x80x128xf32, #tpu.memory_space<hbm>>
    %dma_start3A_44 = tpu.memref_squeeze %dma_start3A_43 : memref<1x80x128xf32, #tpu.memory_space<hbm>> -> memref<80x128xf32, #tpu.memory_space<hbm>>
    %dma_start3A_45 = arith.constant 0 : i32
    %dma_start3A_46 = tpu.memref_slice %arg4[%arg0, %add3A_41, %dma_start3A_45] : memref<2x320000x128xf32, #tpu.memory_space<hbm>> -> memref<1x80x128xf32, #tpu.memory_space<hbm>>
    %dma_start3A_47 = tpu.memref_squeeze %dma_start3A_46 : memref<1x80x128xf32, #tpu.memory_space<hbm>> -> memref<80x128xf32, #tpu.memory_space<hbm>>
    tpu.enqueue_dma source(%arg8 : memref<80x128xf32, #tpu.memory_space<vmem>>) target(%dma_start3A_47 : memref<80x128xf32, #tpu.memory_space<hbm>>) target_semaphore(%arg12 : memref<!tpu.dma_semaphore, #tpu.memory_space<semaphore_mem>>)
    %dma_wait3A_48 = arith.constant 0 : i32
    %dma_wait3A_49 = arith.constant 0 : i32
    %dma_wait3A_50 = tpu.memref_slice %arg4[%arg0, %dma_wait3A_48, %dma_wait3A_49] : memref<2x320000x128xf32, #tpu.memory_space<hbm>> -> memref<1x80x128xf32, #tpu.memory_space<hbm>>
    %dma_wait3A_51 = tpu.memref_squeeze %dma_wait3A_50 : memref<1x80x128xf32, #tpu.memory_space<hbm>> -> memref<80x128xf32, #tpu.memory_space<hbm>>
    %dma_wait3A_52 = arith.constant 0 : i32
    %dma_wait3A_53 = arith.constant 0 : i32
    %dma_wait3A_54 = tpu.memref_slice %arg4[%arg0, %dma_wait3A_52, %dma_wait3A_53] : memref<2x320000x128xf32, #tpu.memory_space<hbm>> -> memref<1x80x128xf32, #tpu.memory_space<hbm>>
    %dma_wait3A_55 = tpu.memref_squeeze %dma_wait3A_54 : memref<1x80x128xf32, #tpu.memory_space<hbm>> -> memref<80x128xf32, #tpu.memory_space<hbm>>
    tpu.wait_dma2 semaphore(%arg11 : memref<!tpu.dma_semaphore, #tpu.memory_space<semaphore_mem>>) src(%arg7 : memref<80x128xf32, #tpu.memory_space<vmem>>) dst(%dma_wait3A_55 : memref<80x128xf32, #tpu.memory_space<hbm>>)
    %dma_wait3A_56 = arith.constant 0 : i32
    %dma_wait3A_57 = arith.constant 0 : i32
    %dma_wait3A_58 = tpu.memref_slice %arg4[%arg0, %dma_wait3A_56, %dma_wait3A_57] : memref<2x320000x128xf32, #tpu.memory_space<hbm>> -> memref<1x80x128xf32, #tpu.memory_space<hbm>>
    %dma_wait3A_59 = tpu.memref_squeeze %dma_wait3A_58 : memref<1x80x128xf32, #tpu.memory_space<hbm>> -> memref<80x128xf32, #tpu.memory_space<hbm>>
    %dma_wait3A_60 = arith.constant 0 : i32
    %dma_wait3A_61 = arith.constant 0 : i32
    %dma_wait3A_62 = tpu.memref_slice %arg4[%arg0, %dma_wait3A_60, %dma_wait3A_61] : memref<2x320000x128xf32, #tpu.memory_space<hbm>> -> memref<1x80x128xf32, #tpu.memory_space<hbm>>
    %dma_wait3A_63 = tpu.memref_squeeze %dma_wait3A_62 : memref<1x80x128xf32, #tpu.memory_space<hbm>> -> memref<80x128xf32, #tpu.memory_space<hbm>>
    tpu.wait_dma2 semaphore(%arg12 : memref<!tpu.dma_semaphore, #tpu.memory_space<semaphore_mem>>) src(%arg8 : memref<80x128xf32, #tpu.memory_space<vmem>>) dst(%dma_wait3A_63 : memref<80x128xf32, #tpu.memory_space<hbm>>)
    return
  }
}

#map = affine_map<(d0, d1) -> (0, 0)>
#map1 = affine_map<(d0, d1) -> (0, 0, 0)>
module attributes {stable_mosaic.version = 14 : i64} {
  func.func @_scatter_body(%arg0: i32, %arg1: i32, %arg2: memref<320000x128xf32, #tpu.memory_space<hbm>>, %arg3: memref<32x125x80xi32, #tpu.memory_space<hbm>>, %arg4: memref<640x128xf32, #tpu.memory_space<hbm>>, %arg5: memref<2x10240x128xf32, #tpu.memory_space<hbm>>, %arg6: memref<125x80xi32, #tpu.memory_space<vmem>>, %arg7: memref<80x128xf32, #tpu.memory_space<vmem>>, %arg8: memref<80x128xf32, #tpu.memory_space<vmem>>, %arg9: memref<10240x128xf32, #tpu.memory_space<vmem_shared>>, %arg10: memref<!tpu.dma_semaphore, #tpu.memory_space<semaphore_mem>>, %arg11: memref<!tpu.dma_semaphore, #tpu.memory_space<semaphore_mem>>) attributes {dimension_semantics = [#tpu.dimension_semantics<core_parallel>, #tpu.dimension_semantics<subcore_parallel>], iteration_bounds = array<i64: 2, 16>, scalar_prefetch = 0 : i64, scratch_operands = 6 : i64, tpu.core_type = #tpu.core_type<sc_vector_subcore>, window_params = [{transform_indices = #map}, {transform_indices = #map1}, {transform_indices = #map}, {transform_indices = #map1}]} {
    %mul3A = arith.constant 2 : i32
    %mul3A_0 = arith.muli %arg1, %mul3A : i32
    %add3A = arith.addi %mul3A_0, %arg0 : i32
    %mul3A_1 = arith.constant 10000 : i32
    %mul3A_2 = arith.muli %add3A, %mul3A_1 : i32
    "tpu.region"() ({
      %run_scoped3A_51 = tpu.sem_alloc : memref<!tpu.dma_semaphore, #tpu.memory_space<semaphore_mem>>
      %dma_start3A_52 = arith.constant 0 : i32
      %dma_start3A_53 = arith.constant 0 : i32
      %dma_start3A_54 = tpu.memref_slice %arg3[%add3A, %dma_start3A_52, %dma_start3A_53] : memref<32x125x80xi32, #tpu.memory_space<hbm>> -> memref<1x125x80xi32, #tpu.memory_space<hbm>>
      %dma_start3A_55 = tpu.memref_squeeze %dma_start3A_54 : memref<1x125x80xi32, #tpu.memory_space<hbm>> -> memref<125x80xi32, #tpu.memory_space<hbm>>
      %dma_start3A_56 = arith.constant 0 : i32
      %dma_start3A_57 = arith.constant 0 : i32
      %dma_start3A_58 = tpu.memref_slice %arg3[%add3A, %dma_start3A_56, %dma_start3A_57] : memref<32x125x80xi32, #tpu.memory_space<hbm>> -> memref<1x125x80xi32, #tpu.memory_space<hbm>>
      %dma_start3A_59 = tpu.memref_squeeze %dma_start3A_58 : memref<1x125x80xi32, #tpu.memory_space<hbm>> -> memref<125x80xi32, #tpu.memory_space<hbm>>
      tpu.enqueue_dma source(%dma_start3A_59 : memref<125x80xi32, #tpu.memory_space<hbm>>) target(%arg6 : memref<125x80xi32, #tpu.memory_space<vmem>>) target_semaphore(%run_scoped3A_51 : memref<!tpu.dma_semaphore, #tpu.memory_space<semaphore_mem>>)
      %dma_wait3A_60 = arith.constant 0 : i32
      %dma_wait3A_61 = arith.constant 0 : i32
      %dma_wait3A_62 = tpu.memref_slice %arg3[%add3A, %dma_wait3A_60, %dma_wait3A_61] : memref<32x125x80xi32, #tpu.memory_space<hbm>> -> memref<1x125x80xi32, #tpu.memory_space<hbm>>
      %dma_wait3A_63 = tpu.memref_squeeze %dma_wait3A_62 : memref<1x125x80xi32, #tpu.memory_space<hbm>> -> memref<125x80xi32, #tpu.memory_space<hbm>>
      %dma_wait3A_64 = arith.constant 0 : i32
      %dma_wait3A_65 = arith.constant 0 : i32
      %dma_wait3A_66 = tpu.memref_slice %arg3[%add3A, %dma_wait3A_64, %dma_wait3A_65] : memref<32x125x80xi32, #tpu.memory_space<hbm>> -> memref<1x125x80xi32, #tpu.memory_space<hbm>>
      %dma_wait3A_67 = tpu.memref_squeeze %dma_wait3A_66 : memref<1x125x80xi32, #tpu.memory_space<hbm>> -> memref<125x80xi32, #tpu.memory_space<hbm>>
      tpu.wait_dma2 semaphore(%run_scoped3A_51 : memref<!tpu.dma_semaphore, #tpu.memory_space<semaphore_mem>>) src(%dma_wait3A_67 : memref<125x80xi32, #tpu.memory_space<hbm>>) dst(%arg6 : memref<125x80xi32, #tpu.memory_space<vmem>>)
      tpu.yield
    }) : () -> ()
    %mul3A_3 = arith.constant 640 : i32
    %mul3A_4 = arith.muli %arg1, %mul3A_3 : i32
    "tpu.region"() ({
      %run_scoped3A_51 = tpu.sem_alloc : memref<!tpu.dma_semaphore, #tpu.memory_space<semaphore_mem>>
      %dma_start3A_52 = arith.constant 0 : i32
      %dma_start3A_53 = tpu.memref_slice %arg9[%mul3A_4, %dma_start3A_52] : memref<10240x128xf32, #tpu.memory_space<vmem_shared>> -> memref<640x128xf32, #tpu.memory_space<vmem_shared>>
      tpu.enqueue_dma source(%arg4 : memref<640x128xf32, #tpu.memory_space<hbm>>) target(%dma_start3A_53 : memref<640x128xf32, #tpu.memory_space<vmem_shared>>) target_semaphore(%run_scoped3A_51 : memref<!tpu.dma_semaphore, #tpu.memory_space<semaphore_mem>>)
      %dma_wait3A_54 = arith.constant 0 : i32
      %dma_wait3A_55 = tpu.memref_slice %arg9[%mul3A_4, %dma_wait3A_54] : memref<10240x128xf32, #tpu.memory_space<vmem_shared>> -> memref<640x128xf32, #tpu.memory_space<vmem_shared>>
      tpu.wait_dma2 semaphore(%run_scoped3A_51 : memref<!tpu.dma_semaphore, #tpu.memory_space<semaphore_mem>>) src(%arg4 : memref<640x128xf32, #tpu.memory_space<hbm>>) dst(%dma_wait3A_55 : memref<640x128xf32, #tpu.memory_space<vmem_shared>>)
      tpu.yield
    }) : () -> ()
    %barrier3A = arith.constant 0 : index
    tpu.barrier barrier_id(%barrier3A)
    %add3A_5 = arith.constant 0 : i32
    %add3A_6 = arith.addi %mul3A_2, %add3A_5 : i32
    %dma_start3A = arith.constant 0 : i32
    %dma_start3A_7 = tpu.memref_slice %arg2[%add3A_6, %dma_start3A] : memref<320000x128xf32, #tpu.memory_space<hbm>> -> memref<80x128xf32, #tpu.memory_space<hbm>>
    %dma_start3A_8 = arith.constant 0 : i32
    %dma_start3A_9 = tpu.memref_slice %arg2[%add3A_6, %dma_start3A_8] : memref<320000x128xf32, #tpu.memory_space<hbm>> -> memref<80x128xf32, #tpu.memory_space<hbm>>
    tpu.enqueue_dma source(%dma_start3A_9 : memref<80x128xf32, #tpu.memory_space<hbm>>) target(%arg7 : memref<80x128xf32, #tpu.memory_space<vmem>>) target_semaphore(%arg10 : memref<!tpu.dma_semaphore, #tpu.memory_space<semaphore_mem>>)
    %add3A_10 = arith.constant 80 : i32
    %add3A_11 = arith.addi %mul3A_2, %add3A_10 : i32
    %dma_start3A_12 = arith.constant 0 : i32
    %dma_start3A_13 = tpu.memref_slice %arg2[%add3A_11, %dma_start3A_12] : memref<320000x128xf32, #tpu.memory_space<hbm>> -> memref<80x128xf32, #tpu.memory_space<hbm>>
    %dma_start3A_14 = arith.constant 0 : i32
    %dma_start3A_15 = tpu.memref_slice %arg2[%add3A_11, %dma_start3A_14] : memref<320000x128xf32, #tpu.memory_space<hbm>> -> memref<80x128xf32, #tpu.memory_space<hbm>>
    tpu.enqueue_dma source(%dma_start3A_15 : memref<80x128xf32, #tpu.memory_space<hbm>>) target(%arg8 : memref<80x128xf32, #tpu.memory_space<vmem>>) target_semaphore(%arg11 : memref<!tpu.dma_semaphore, #tpu.memory_space<semaphore_mem>>)
    %scan3A = arith.constant 0 : i32
    %scan3A_16 = arith.constant 0 : i32
    %scan3A_17 = arith.constant 61 : i32
    %scan3A_18 = arith.addi %scan3A_16, %scan3A_17 : i32
    %scan3A_19 = arith.constant 1 : i32
    scf.for %scan3A_51 = %scan3A_16 to %scan3A_18 step %scan3A_19  : i32 {
      %dma_wait3A_52 = arith.constant 0 : i32
      %dma_wait3A_53 = arith.constant 0 : i32
      %dma_wait3A_54 = tpu.memref_slice %arg2[%dma_wait3A_52, %dma_wait3A_53] : memref<320000x128xf32, #tpu.memory_space<hbm>> -> memref<80x128xf32, #tpu.memory_space<hbm>>
      %dma_wait3A_55 = arith.constant 0 : i32
      %dma_wait3A_56 = arith.constant 0 : i32
      %dma_wait3A_57 = tpu.memref_slice %arg2[%dma_wait3A_55, %dma_wait3A_56] : memref<320000x128xf32, #tpu.memory_space<hbm>> -> memref<80x128xf32, #tpu.memory_space<hbm>>
      tpu.wait_dma2 semaphore(%arg10 : memref<!tpu.dma_semaphore, #tpu.memory_space<semaphore_mem>>) src(%dma_wait3A_57 : memref<80x128xf32, #tpu.memory_space<hbm>>) dst(%arg7 : memref<80x128xf32, #tpu.memory_space<vmem>>)
      %mul3A_58 = arith.constant 2 : i32
      %mul3A_59 = arith.muli %mul3A_58, %scan3A_51 : i32
      "tpu.region"() ({
        %run_scoped3A_92 = tpu.sem_alloc : memref<!tpu.dma_semaphore, #tpu.memory_space<semaphore_mem>>
        %dma_start3A_93 = arith.constant 0 : i32
        %dma_start3A_94 = tpu.memref_slice %arg6[%mul3A_59, %dma_start3A_93] : memref<125x80xi32, #tpu.memory_space<vmem>> -> memref<1x80xi32, #tpu.memory_space<vmem>>
        %dma_start3A_95 = tpu.memref_squeeze %dma_start3A_94 : memref<1x80xi32, #tpu.memory_space<vmem>> -> memref<80xi32, #tpu.memory_space<vmem>>
        %dma_start3A_96 = arith.constant 0 : i32
        %dma_start3A_97 = arith.constant 0 : i32
        %dma_start3A_98 = tpu.memref_slice %arg9[%dma_start3A_96, %dma_start3A_97] : memref<10240x128xf32, #tpu.memory_space<vmem_shared>> -> memref<10240x128xf32, #tpu.memory_space<vmem_shared>>
        tpu.enqueue_indirect_dma source(%arg7 : memref<80x128xf32, #tpu.memory_space<vmem>>) target(%dma_start3A_98 : memref<10240x128xf32, #tpu.memory_space<vmem_shared>>) offsets(%dma_start3A_95 : memref<80xi32, #tpu.memory_space<vmem>>) semaphore(%run_scoped3A_92 : memref<!tpu.dma_semaphore, #tpu.memory_space<semaphore_mem>>) {add = true}
        %dma_wait3A_99 = arith.constant 0 : i32
        %dma_wait3A_100 = tpu.memref_slice %arg6[%mul3A_59, %dma_wait3A_99] : memref<125x80xi32, #tpu.memory_space<vmem>> -> memref<1x80xi32, #tpu.memory_space<vmem>>
        %dma_wait3A_101 = tpu.memref_squeeze %dma_wait3A_100 : memref<1x80xi32, #tpu.memory_space<vmem>> -> memref<80xi32, #tpu.memory_space<vmem>>
        %dma_wait3A_102 = arith.constant 0 : i32
        %dma_wait3A_103 = arith.constant 0 : i32
        %dma_wait3A_104 = tpu.memref_slice %arg9[%dma_wait3A_102, %dma_wait3A_103] : memref<10240x128xf32, #tpu.memory_space<vmem_shared>> -> memref<10240x128xf32, #tpu.memory_space<vmem_shared>>
        tpu.wait_indirect_dma semaphore(%run_scoped3A_92 : memref<!tpu.dma_semaphore, #tpu.memory_space<semaphore_mem>>) src(%arg7 : memref<80x128xf32, #tpu.memory_space<vmem>>) dst(%dma_wait3A_104 : memref<10240x128xf32, #tpu.memory_space<vmem_shared>>)
        tpu.yield
      }) : () -> ()
      %mul3A_60 = arith.constant 2 : i32
      %mul3A_61 = arith.muli %mul3A_60, %scan3A_51 : i32
      %add3A_62 = arith.constant 2 : i32
      %add3A_63 = arith.addi %mul3A_61, %add3A_62 : i32
      %mul3A_64 = arith.constant 80 : i32
      %mul3A_65 = arith.muli %add3A_63, %mul3A_64 : i32
      %add3A_66 = arith.addi %mul3A_2, %mul3A_65 : i32
      %dma_start3A_67 = arith.constant 0 : i32
      %dma_start3A_68 = tpu.memref_slice %arg2[%add3A_66, %dma_start3A_67] : memref<320000x128xf32, #tpu.memory_space<hbm>> -> memref<80x128xf32, #tpu.memory_space<hbm>>
      %dma_start3A_69 = arith.constant 0 : i32
      %dma_start3A_70 = tpu.memref_slice %arg2[%add3A_66, %dma_start3A_69] : memref<320000x128xf32, #tpu.memory_space<hbm>> -> memref<80x128xf32, #tpu.memory_space<hbm>>
      tpu.enqueue_dma source(%dma_start3A_70 : memref<80x128xf32, #tpu.memory_space<hbm>>) target(%arg7 : memref<80x128xf32, #tpu.memory_space<vmem>>) target_semaphore(%arg10 : memref<!tpu.dma_semaphore, #tpu.memory_space<semaphore_mem>>)
      %dma_wait3A_71 = arith.constant 0 : i32
      %dma_wait3A_72 = arith.constant 0 : i32
      %dma_wait3A_73 = tpu.memref_slice %arg2[%dma_wait3A_71, %dma_wait3A_72] : memref<320000x128xf32, #tpu.memory_space<hbm>> -> memref<80x128xf32, #tpu.memory_space<hbm>>
      %dma_wait3A_74 = arith.constant 0 : i32
      %dma_wait3A_75 = arith.constant 0 : i32
      %dma_wait3A_76 = tpu.memref_slice %arg2[%dma_wait3A_74, %dma_wait3A_75] : memref<320000x128xf32, #tpu.memory_space<hbm>> -> memref<80x128xf32, #tpu.memory_space<hbm>>
      tpu.wait_dma2 semaphore(%arg11 : memref<!tpu.dma_semaphore, #tpu.memory_space<semaphore_mem>>) src(%dma_wait3A_76 : memref<80x128xf32, #tpu.memory_space<hbm>>) dst(%arg8 : memref<80x128xf32, #tpu.memory_space<vmem>>)
      %mul3A_77 = arith.constant 2 : i32
      %mul3A_78 = arith.muli %mul3A_77, %scan3A_51 : i32
      %add3A_79 = arith.constant 1 : i32
      %add3A_80 = arith.addi %mul3A_78, %add3A_79 : i32
      "tpu.region"() ({
        %run_scoped3A_92 = tpu.sem_alloc : memref<!tpu.dma_semaphore, #tpu.memory_space<semaphore_mem>>
        %dma_start3A_93 = arith.constant 0 : i32
        %dma_start3A_94 = tpu.memref_slice %arg6[%add3A_80, %dma_start3A_93] : memref<125x80xi32, #tpu.memory_space<vmem>> -> memref<1x80xi32, #tpu.memory_space<vmem>>
        %dma_start3A_95 = tpu.memref_squeeze %dma_start3A_94 : memref<1x80xi32, #tpu.memory_space<vmem>> -> memref<80xi32, #tpu.memory_space<vmem>>
        %dma_start3A_96 = arith.constant 0 : i32
        %dma_start3A_97 = arith.constant 0 : i32
        %dma_start3A_98 = tpu.memref_slice %arg9[%dma_start3A_96, %dma_start3A_97] : memref<10240x128xf32, #tpu.memory_space<vmem_shared>> -> memref<10240x128xf32, #tpu.memory_space<vmem_shared>>
        tpu.enqueue_indirect_dma source(%arg8 : memref<80x128xf32, #tpu.memory_space<vmem>>) target(%dma_start3A_98 : memref<10240x128xf32, #tpu.memory_space<vmem_shared>>) offsets(%dma_start3A_95 : memref<80xi32, #tpu.memory_space<vmem>>) semaphore(%run_scoped3A_92 : memref<!tpu.dma_semaphore, #tpu.memory_space<semaphore_mem>>) {add = true}
        %dma_wait3A_99 = arith.constant 0 : i32
        %dma_wait3A_100 = tpu.memref_slice %arg6[%add3A_80, %dma_wait3A_99] : memref<125x80xi32, #tpu.memory_space<vmem>> -> memref<1x80xi32, #tpu.memory_space<vmem>>
        %dma_wait3A_101 = tpu.memref_squeeze %dma_wait3A_100 : memref<1x80xi32, #tpu.memory_space<vmem>> -> memref<80xi32, #tpu.memory_space<vmem>>
        %dma_wait3A_102 = arith.constant 0 : i32
        %dma_wait3A_103 = arith.constant 0 : i32
        %dma_wait3A_104 = tpu.memref_slice %arg9[%dma_wait3A_102, %dma_wait3A_103] : memref<10240x128xf32, #tpu.memory_space<vmem_shared>> -> memref<10240x128xf32, #tpu.memory_space<vmem_shared>>
        tpu.wait_indirect_dma semaphore(%run_scoped3A_92 : memref<!tpu.dma_semaphore, #tpu.memory_space<semaphore_mem>>) src(%arg8 : memref<80x128xf32, #tpu.memory_space<vmem>>) dst(%dma_wait3A_104 : memref<10240x128xf32, #tpu.memory_space<vmem_shared>>)
        tpu.yield
      }) : () -> ()
      %mul3A_81 = arith.constant 2 : i32
      %mul3A_82 = arith.muli %mul3A_81, %scan3A_51 : i32
      %add3A_83 = arith.constant 3 : i32
      %add3A_84 = arith.addi %mul3A_82, %add3A_83 : i32
      %mul3A_85 = arith.constant 80 : i32
      %mul3A_86 = arith.muli %add3A_84, %mul3A_85 : i32
      %add3A_87 = arith.addi %mul3A_2, %mul3A_86 : i32
      %dma_start3A_88 = arith.constant 0 : i32
      %dma_start3A_89 = tpu.memref_slice %arg2[%add3A_87, %dma_start3A_88] : memref<320000x128xf32, #tpu.memory_space<hbm>> -> memref<80x128xf32, #tpu.memory_space<hbm>>
      %dma_start3A_90 = arith.constant 0 : i32
      %dma_start3A_91 = tpu.memref_slice %arg2[%add3A_87, %dma_start3A_90] : memref<320000x128xf32, #tpu.memory_space<hbm>> -> memref<80x128xf32, #tpu.memory_space<hbm>>
      tpu.enqueue_dma source(%dma_start3A_91 : memref<80x128xf32, #tpu.memory_space<hbm>>) target(%arg8 : memref<80x128xf32, #tpu.memory_space<vmem>>) target_semaphore(%arg11 : memref<!tpu.dma_semaphore, #tpu.memory_space<semaphore_mem>>)
    }
    %scan3A_20 = arith.constant 61 : i32
    %dma_wait3A = arith.constant 0 : i32
    %dma_wait3A_21 = arith.constant 0 : i32
    %dma_wait3A_22 = tpu.memref_slice %arg2[%dma_wait3A, %dma_wait3A_21] : memref<320000x128xf32, #tpu.memory_space<hbm>> -> memref<80x128xf32, #tpu.memory_space<hbm>>
    %dma_wait3A_23 = arith.constant 0 : i32
    %dma_wait3A_24 = arith.constant 0 : i32
    %dma_wait3A_25 = tpu.memref_slice %arg2[%dma_wait3A_23, %dma_wait3A_24] : memref<320000x128xf32, #tpu.memory_space<hbm>> -> memref<80x128xf32, #tpu.memory_space<hbm>>
    tpu.wait_dma2 semaphore(%arg10 : memref<!tpu.dma_semaphore, #tpu.memory_space<semaphore_mem>>) src(%dma_wait3A_25 : memref<80x128xf32, #tpu.memory_space<hbm>>) dst(%arg7 : memref<80x128xf32, #tpu.memory_space<vmem>>)
    %run_scoped3A = arith.constant 122 : i32
    "tpu.region"() ({
      %run_scoped3A_51 = tpu.sem_alloc : memref<!tpu.dma_semaphore, #tpu.memory_space<semaphore_mem>>
      %dma_start3A_52 = arith.constant 0 : i32
      %dma_start3A_53 = tpu.memref_slice %arg6[%run_scoped3A, %dma_start3A_52] : memref<125x80xi32, #tpu.memory_space<vmem>> -> memref<1x80xi32, #tpu.memory_space<vmem>>
      %dma_start3A_54 = tpu.memref_squeeze %dma_start3A_53 : memref<1x80xi32, #tpu.memory_space<vmem>> -> memref<80xi32, #tpu.memory_space<vmem>>
      %dma_start3A_55 = arith.constant 0 : i32
      %dma_start3A_56 = arith.constant 0 : i32
      %dma_start3A_57 = tpu.memref_slice %arg9[%dma_start3A_55, %dma_start3A_56] : memref<10240x128xf32, #tpu.memory_space<vmem_shared>> -> memref<10240x128xf32, #tpu.memory_space<vmem_shared>>
      tpu.enqueue_indirect_dma source(%arg7 : memref<80x128xf32, #tpu.memory_space<vmem>>) target(%dma_start3A_57 : memref<10240x128xf32, #tpu.memory_space<vmem_shared>>) offsets(%dma_start3A_54 : memref<80xi32, #tpu.memory_space<vmem>>) semaphore(%run_scoped3A_51 : memref<!tpu.dma_semaphore, #tpu.memory_space<semaphore_mem>>) {add = true}
      %dma_wait3A_58 = arith.constant 0 : i32
      %dma_wait3A_59 = tpu.memref_slice %arg6[%run_scoped3A, %dma_wait3A_58] : memref<125x80xi32, #tpu.memory_space<vmem>> -> memref<1x80xi32, #tpu.memory_space<vmem>>
      %dma_wait3A_60 = tpu.memref_squeeze %dma_wait3A_59 : memref<1x80xi32, #tpu.memory_space<vmem>> -> memref<80xi32, #tpu.memory_space<vmem>>
      %dma_wait3A_61 = arith.constant 0 : i32
      %dma_wait3A_62 = arith.constant 0 : i32
      %dma_wait3A_63 = tpu.memref_slice %arg9[%dma_wait3A_61, %dma_wait3A_62] : memref<10240x128xf32, #tpu.memory_space<vmem_shared>> -> memref<10240x128xf32, #tpu.memory_space<vmem_shared>>
      tpu.wait_indirect_dma semaphore(%run_scoped3A_51 : memref<!tpu.dma_semaphore, #tpu.memory_space<semaphore_mem>>) src(%arg7 : memref<80x128xf32, #tpu.memory_space<vmem>>) dst(%dma_wait3A_63 : memref<10240x128xf32, #tpu.memory_space<vmem_shared>>)
      tpu.yield
    }) : () -> ()
    %add3A_26 = arith.constant 9920 : i32
    %add3A_27 = arith.addi %mul3A_2, %add3A_26 : i32
    %dma_start3A_28 = arith.constant 0 : i32
    %dma_start3A_29 = tpu.memref_slice %arg2[%add3A_27, %dma_start3A_28] : memref<320000x128xf32, #tpu.memory_space<hbm>> -> memref<80x128xf32, #tpu.memory_space<hbm>>
    %dma_start3A_30 = arith.constant 0 : i32
    %dma_start3A_31 = tpu.memref_slice %arg2[%add3A_27, %dma_start3A_30] : memref<320000x128xf32, #tpu.memory_space<hbm>> -> memref<80x128xf32, #tpu.memory_space<hbm>>
    tpu.enqueue_dma source(%dma_start3A_31 : memref<80x128xf32, #tpu.memory_space<hbm>>) target(%arg7 : memref<80x128xf32, #tpu.memory_space<vmem>>) target_semaphore(%arg10 : memref<!tpu.dma_semaphore, #tpu.memory_space<semaphore_mem>>)
    %dma_wait3A_32 = arith.constant 0 : i32
    %dma_wait3A_33 = arith.constant 0 : i32
    %dma_wait3A_34 = tpu.memref_slice %arg2[%dma_wait3A_32, %dma_wait3A_33] : memref<320000x128xf32, #tpu.memory_space<hbm>> -> memref<80x128xf32, #tpu.memory_space<hbm>>
    %dma_wait3A_35 = arith.constant 0 : i32
    %dma_wait3A_36 = arith.constant 0 : i32
    %dma_wait3A_37 = tpu.memref_slice %arg2[%dma_wait3A_35, %dma_wait3A_36] : memref<320000x128xf32, #tpu.memory_space<hbm>> -> memref<80x128xf32, #tpu.memory_space<hbm>>
    tpu.wait_dma2 semaphore(%arg11 : memref<!tpu.dma_semaphore, #tpu.memory_space<semaphore_mem>>) src(%dma_wait3A_37 : memref<80x128xf32, #tpu.memory_space<hbm>>) dst(%arg8 : memref<80x128xf32, #tpu.memory_space<vmem>>)
    %run_scoped3A_38 = arith.constant 123 : i32
    "tpu.region"() ({
      %run_scoped3A_51 = tpu.sem_alloc : memref<!tpu.dma_semaphore, #tpu.memory_space<semaphore_mem>>
      %dma_start3A_52 = arith.constant 0 : i32
      %dma_start3A_53 = tpu.memref_slice %arg6[%run_scoped3A_38, %dma_start3A_52] : memref<125x80xi32, #tpu.memory_space<vmem>> -> memref<1x80xi32, #tpu.memory_space<vmem>>
      %dma_start3A_54 = tpu.memref_squeeze %dma_start3A_53 : memref<1x80xi32, #tpu.memory_space<vmem>> -> memref<80xi32, #tpu.memory_space<vmem>>
      %dma_start3A_55 = arith.constant 0 : i32
      %dma_start3A_56 = arith.constant 0 : i32
      %dma_start3A_57 = tpu.memref_slice %arg9[%dma_start3A_55, %dma_start3A_56] : memref<10240x128xf32, #tpu.memory_space<vmem_shared>> -> memref<10240x128xf32, #tpu.memory_space<vmem_shared>>
      tpu.enqueue_indirect_dma source(%arg8 : memref<80x128xf32, #tpu.memory_space<vmem>>) target(%dma_start3A_57 : memref<10240x128xf32, #tpu.memory_space<vmem_shared>>) offsets(%dma_start3A_54 : memref<80xi32, #tpu.memory_space<vmem>>) semaphore(%run_scoped3A_51 : memref<!tpu.dma_semaphore, #tpu.memory_space<semaphore_mem>>) {add = true}
      %dma_wait3A_58 = arith.constant 0 : i32
      %dma_wait3A_59 = tpu.memref_slice %arg6[%run_scoped3A_38, %dma_wait3A_58] : memref<125x80xi32, #tpu.memory_space<vmem>> -> memref<1x80xi32, #tpu.memory_space<vmem>>
      %dma_wait3A_60 = tpu.memref_squeeze %dma_wait3A_59 : memref<1x80xi32, #tpu.memory_space<vmem>> -> memref<80xi32, #tpu.memory_space<vmem>>
      %dma_wait3A_61 = arith.constant 0 : i32
      %dma_wait3A_62 = arith.constant 0 : i32
      %dma_wait3A_63 = tpu.memref_slice %arg9[%dma_wait3A_61, %dma_wait3A_62] : memref<10240x128xf32, #tpu.memory_space<vmem_shared>> -> memref<10240x128xf32, #tpu.memory_space<vmem_shared>>
      tpu.wait_indirect_dma semaphore(%run_scoped3A_51 : memref<!tpu.dma_semaphore, #tpu.memory_space<semaphore_mem>>) src(%arg8 : memref<80x128xf32, #tpu.memory_space<vmem>>) dst(%dma_wait3A_63 : memref<10240x128xf32, #tpu.memory_space<vmem_shared>>)
      tpu.yield
    }) : () -> ()
    %dma_wait3A_39 = arith.constant 0 : i32
    %dma_wait3A_40 = arith.constant 0 : i32
    %dma_wait3A_41 = tpu.memref_slice %arg2[%dma_wait3A_39, %dma_wait3A_40] : memref<320000x128xf32, #tpu.memory_space<hbm>> -> memref<80x128xf32, #tpu.memory_space<hbm>>
    %dma_wait3A_42 = arith.constant 0 : i32
    %dma_wait3A_43 = arith.constant 0 : i32
    %dma_wait3A_44 = tpu.memref_slice %arg2[%dma_wait3A_42, %dma_wait3A_43] : memref<320000x128xf32, #tpu.memory_space<hbm>> -> memref<80x128xf32, #tpu.memory_space<hbm>>
    tpu.wait_dma2 semaphore(%arg10 : memref<!tpu.dma_semaphore, #tpu.memory_space<semaphore_mem>>) src(%dma_wait3A_44 : memref<80x128xf32, #tpu.memory_space<hbm>>) dst(%arg7 : memref<80x128xf32, #tpu.memory_space<vmem>>)
    %run_scoped3A_45 = arith.constant 124 : i32
    "tpu.region"() ({
      %run_scoped3A_51 = tpu.sem_alloc : memref<!tpu.dma_semaphore, #tpu.memory_space<semaphore_mem>>
      %dma_start3A_52 = arith.constant 0 : i32
      %dma_start3A_53 = tpu.memref_slice %arg6[%run_scoped3A_45, %dma_start3A_52] : memref<125x80xi32, #tpu.memory_space<vmem>> -> memref<1x80xi32, #tpu.memory_space<vmem>>
      %dma_start3A_54 = tpu.memref_squeeze %dma_start3A_53 : memref<1x80xi32, #tpu.memory_space<vmem>> -> memref<80xi32, #tpu.memory_space<vmem>>
      %dma_start3A_55 = arith.constant 0 : i32
      %dma_start3A_56 = arith.constant 0 : i32
      %dma_start3A_57 = tpu.memref_slice %arg9[%dma_start3A_55, %dma_start3A_56] : memref<10240x128xf32, #tpu.memory_space<vmem_shared>> -> memref<10240x128xf32, #tpu.memory_space<vmem_shared>>
      tpu.enqueue_indirect_dma source(%arg7 : memref<80x128xf32, #tpu.memory_space<vmem>>) target(%dma_start3A_57 : memref<10240x128xf32, #tpu.memory_space<vmem_shared>>) offsets(%dma_start3A_54 : memref<80xi32, #tpu.memory_space<vmem>>) semaphore(%run_scoped3A_51 : memref<!tpu.dma_semaphore, #tpu.memory_space<semaphore_mem>>) {add = true}
      %dma_wait3A_58 = arith.constant 0 : i32
      %dma_wait3A_59 = tpu.memref_slice %arg6[%run_scoped3A_45, %dma_wait3A_58] : memref<125x80xi32, #tpu.memory_space<vmem>> -> memref<1x80xi32, #tpu.memory_space<vmem>>
      %dma_wait3A_60 = tpu.memref_squeeze %dma_wait3A_59 : memref<1x80xi32, #tpu.memory_space<vmem>> -> memref<80xi32, #tpu.memory_space<vmem>>
      %dma_wait3A_61 = arith.constant 0 : i32
      %dma_wait3A_62 = arith.constant 0 : i32
      %dma_wait3A_63 = tpu.memref_slice %arg9[%dma_wait3A_61, %dma_wait3A_62] : memref<10240x128xf32, #tpu.memory_space<vmem_shared>> -> memref<10240x128xf32, #tpu.memory_space<vmem_shared>>
      tpu.wait_indirect_dma semaphore(%run_scoped3A_51 : memref<!tpu.dma_semaphore, #tpu.memory_space<semaphore_mem>>) src(%arg7 : memref<80x128xf32, #tpu.memory_space<vmem>>) dst(%dma_wait3A_63 : memref<10240x128xf32, #tpu.memory_space<vmem_shared>>)
      tpu.yield
    }) : () -> ()
    %barrier3A_46 = arith.constant 0 : index
    tpu.barrier barrier_id(%barrier3A_46)
    %mul3A_47 = arith.constant 640 : i32
    %mul3A_48 = arith.muli %arg1, %mul3A_47 : i32
    %mul3A_49 = arith.constant 640 : i32
    %mul3A_50 = arith.muli %arg1, %mul3A_49 : i32
    "tpu.region"() ({
      %run_scoped3A_51 = tpu.sem_alloc : memref<!tpu.dma_semaphore, #tpu.memory_space<semaphore_mem>>
      %dma_start3A_52 = arith.constant 0 : i32
      %dma_start3A_53 = tpu.memref_slice %arg5[%arg0, %mul3A_50, %dma_start3A_52] : memref<2x10240x128xf32, #tpu.memory_space<hbm>> -> memref<1x640x128xf32, #tpu.memory_space<hbm>>
      %dma_start3A_54 = tpu.memref_squeeze %dma_start3A_53 : memref<1x640x128xf32, #tpu.memory_space<hbm>> -> memref<640x128xf32, #tpu.memory_space<hbm>>
      %dma_start3A_55 = arith.constant 0 : i32
      %dma_start3A_56 = tpu.memref_slice %arg9[%mul3A_48, %dma_start3A_55] : memref<10240x128xf32, #tpu.memory_space<vmem_shared>> -> memref<640x128xf32, #tpu.memory_space<vmem_shared>>
      tpu.enqueue_dma source(%dma_start3A_56 : memref<640x128xf32, #tpu.memory_space<vmem_shared>>) target(%dma_start3A_54 : memref<640x128xf32, #tpu.memory_space<hbm>>) target_semaphore(%run_scoped3A_51 : memref<!tpu.dma_semaphore, #tpu.memory_space<semaphore_mem>>)
      %dma_wait3A_57 = arith.constant 0 : i32
      %dma_wait3A_58 = tpu.memref_slice %arg5[%arg0, %mul3A_50, %dma_wait3A_57] : memref<2x10240x128xf32, #tpu.memory_space<hbm>> -> memref<1x640x128xf32, #tpu.memory_space<hbm>>
      %dma_wait3A_59 = tpu.memref_squeeze %dma_wait3A_58 : memref<1x640x128xf32, #tpu.memory_space<hbm>> -> memref<640x128xf32, #tpu.memory_space<hbm>>
      %dma_wait3A_60 = arith.constant 0 : i32
      %dma_wait3A_61 = tpu.memref_slice %arg9[%mul3A_48, %dma_wait3A_60] : memref<10240x128xf32, #tpu.memory_space<vmem_shared>> -> memref<640x128xf32, #tpu.memory_space<vmem_shared>>
      tpu.wait_dma2 semaphore(%run_scoped3A_51 : memref<!tpu.dma_semaphore, #tpu.memory_space<semaphore_mem>>) src(%dma_wait3A_61 : memref<640x128xf32, #tpu.memory_space<vmem_shared>>) dst(%dma_wait3A_59 : memref<640x128xf32, #tpu.memory_space<hbm>>)
      tpu.yield
    }) : () -> ()
    return
  }
}

module attributes {stable_mosaic.version = 14 : i64} {
  func.func @_tables_body(%arg0: i32, %arg1: memref<2000x128xf32, #tpu.memory_space<vmem>>, %arg2: memref<128x128xf32, #tpu.memory_space<vmem>>, %arg3: memref<128x128xf32, #tpu.memory_space<vmem>>, %arg4: memref<1x128xf32, #tpu.memory_space<vmem>>, %arg5: memref<2x2000x128xf32, #tpu.memory_space<vmem>>) attributes {dimension_semantics = [#tpu.dimension_semantics<arbitrary>], iteration_bounds = array<i64: 5>, scalar_prefetch = 0 : i64, scratch_operands = 0 : i64, tpu.core_type = #tpu.core_type<tc>, window_params = [{transform_indices = @transform_0, window_bounds = array<i64: 2000, 128>}, {pipeline_mode = #tpu.pipeline_mode<synchronous>, transform_indices = @transform_1, window_bounds = array<i64: 128, 128>}, {pipeline_mode = #tpu.pipeline_mode<synchronous>, transform_indices = @transform_2, window_bounds = array<i64: 128, 128>}, {pipeline_mode = #tpu.pipeline_mode<synchronous>, transform_indices = @transform_3, window_bounds = array<i64: 1, 128>}, {transform_indices = @transform_4, window_bounds = array<i64: 2, 2000, 128>}]} {
    %get3A = arith.constant 0 : index
    %get3A_0 = arith.constant 0 : index
    %get3A_1 = vector.load %arg1[%get3A, %get3A_0] : memref<2000x128xf32, #tpu.memory_space<vmem>>, vector<2000x128xf32>
    %get3A_2 = arith.constant 0 : index
    %get3A_3 = arith.constant 0 : index
    %get3A_4 = vector.load %arg2[%get3A_2, %get3A_3] : memref<128x128xf32, #tpu.memory_space<vmem>>, vector<128x128xf32>
    %dot_general3A = arith.constant dense<0.000000e+00> : vector<2000x128xf32>
    %dot_general3A_5 = tpu.matmul %get3A_1, %get3A_4, %dot_general3A {dimension_numbers = #tpu.dot_dimension_numbers<[1], [0], [0], [1], [0, 0, 1, 1], [], []>, transpose_lhs_hint = false} : vector<2000x128xf32>, vector<128x128xf32>, vector<2000x128xf32> -> vector<2000x128xf32>
    %get3A_6 = arith.constant 0 : index
    %get3A_7 = arith.constant 0 : index
    %get3A_8 = vector.load %arg4[%get3A_6, %get3A_7] : memref<1x128xf32, #tpu.memory_space<vmem>>, vector<1x128xf32>
    %add3A = vector.broadcast %get3A_8 : vector<1x128xf32> to vector<2000x128xf32>
    %add3A_9 = arith.addf %dot_general3A_5, %add3A : vector<2000x128xf32>
    %swap3A = arith.constant 0 : index
    %swap3A_10 = arith.constant 0 : index
    %swap3A_11 = arith.constant 0 : index
    %swap3A_12 = vector.load %arg5[%swap3A, %swap3A_10, %swap3A_11] : memref<2x2000x128xf32, #tpu.memory_space<vmem>>, vector<1x2000x128xf32>
    %swap3A_13 = vector.shape_cast %swap3A_12 : vector<1x2000x128xf32> to vector<2000x128xf32>
    %swap3A_14 = vector.shape_cast %add3A_9 : vector<2000x128xf32> to vector<1x2000x128xf32>
    tpu.vector_store %arg5[%swap3A, %swap3A_10, %swap3A_11], %swap3A_14 {strides = array<i32>} : memref<2x2000x128xf32, #tpu.memory_space<vmem>>, vector<1x2000x128xf32>,
    %get3A_15 = arith.constant 0 : index
    %get3A_16 = arith.constant 0 : index
    %get3A_17 = vector.load %arg3[%get3A_15, %get3A_16] : memref<128x128xf32, #tpu.memory_space<vmem>>, vector<128x128xf32>
    %dot_general3A_18 = arith.constant dense<0.000000e+00> : vector<2000x128xf32>
    %dot_general3A_19 = tpu.matmul %get3A_1, %get3A_17, %dot_general3A_18 {dimension_numbers = #tpu.dot_dimension_numbers<[1], [0], [0], [1], [0, 0, 1, 1], [], []>, transpose_lhs_hint = false} : vector<2000x128xf32>, vector<128x128xf32>, vector<2000x128xf32> -> vector<2000x128xf32>
    %swap3A_20 = arith.constant 1 : index
    %swap3A_21 = arith.constant 0 : index
    %swap3A_22 = arith.constant 0 : index
    %swap3A_23 = vector.load %arg5[%swap3A_20, %swap3A_21, %swap3A_22] : memref<2x2000x128xf32, #tpu.memory_space<vmem>>, vector<1x2000x128xf32>
    %swap3A_24 = vector.shape_cast %swap3A_23 : vector<1x2000x128xf32> to vector<2000x128xf32>
    %swap3A_25 = vector.shape_cast %dot_general3A_19 : vector<2000x128xf32> to vector<1x2000x128xf32>
    tpu.vector_store %arg5[%swap3A_20, %swap3A_21, %swap3A_22], %swap3A_25 {strides = array<i32>} : memref<2x2000x128xf32, #tpu.memory_space<vmem>>, vector<1x2000x128xf32>,
    return
  }
  func.func @transform_0(%arg0: i32) -> (i32, i32) {
    %c0_i32 = arith.constant 0 : i32
    %c0_i32_0 = arith.constant 0 : i32
    return %arg0, %c0_i32 : i32, i32
  }
  func.func @transform_1(%arg0: i32) -> (i32, i32) {
    %c0_i32 = arith.constant 0 : i32
    %c0_i32_0 = arith.constant 0 : i32
    %c0_i32_1 = arith.constant 0 : i32
    return %c0_i32, %c0_i32_0 : i32, i32
  }
  func.func @transform_2(%arg0: i32) -> (i32, i32) {
    %c0_i32 = arith.constant 0 : i32
    %c0_i32_0 = arith.constant 0 : i32
    %c0_i32_1 = arith.constant 0 : i32
    return %c0_i32, %c0_i32_0 : i32, i32
  }
  func.func @transform_3(%arg0: i32) -> (i32, i32) {
    %c0_i32 = arith.constant 0 : i32
    %c0_i32_0 = arith.constant 0 : i32
    %c0_i32_1 = arith.constant 0 : i32
    return %c0_i32, %c0_i32_0 : i32, i32
  }
  func.func @transform_4(%arg0: i32) -> (i32, i32, i32) {
    %c0_i32 = arith.constant 0 : i32
    %c0_i32_0 = arith.constant 0 : i32
    %c0_i32_1 = arith.constant 0 : i32
    return %c0_i32, %arg0, %c0_i32_0 : i32, i32, i32
  }
}

module attributes {stable_mosaic.version = 14 : i64} {
  func.func @_edge_body(%arg0: i32, %arg1: memref<4000x16xf32, #tpu.memory_space<vmem>>, %arg2: memref<1x4000x128xf32, #tpu.memory_space<vmem>>, %arg3: memref<1x4000x128xf32, #tpu.memory_space<vmem>>, %arg4: memref<16x128xf32, #tpu.memory_space<vmem>>, %arg5: memref<128x128xf32, #tpu.memory_space<vmem>>, %arg6: memref<1x128xf32, #tpu.memory_space<vmem>>, %arg7: memref<4000x1xf32, #tpu.memory_space<vmem>>, %arg8: memref<4000x128xf32, #tpu.memory_space<vmem>>) attributes {dimension_semantics = [#tpu.dimension_semantics<arbitrary>], iteration_bounds = array<i64: 80>, scalar_prefetch = 0 : i64, scratch_operands = 0 : i64, tpu.core_type = #tpu.core_type<tc>, window_params = [{transform_indices = @transform_0, window_bounds = array<i64: 4000, 16>}, {transform_indices = @transform_1, window_bounds = array<i64: 1, 4000, 128>}, {transform_indices = @transform_2, window_bounds = array<i64: 1, 4000, 128>}, {pipeline_mode = #tpu.pipeline_mode<synchronous>, transform_indices = @transform_3, window_bounds = array<i64: 16, 128>}, {pipeline_mode = #tpu.pipeline_mode<synchronous>, transform_indices = @transform_4, window_bounds = array<i64: 128, 128>}, {pipeline_mode = #tpu.pipeline_mode<synchronous>, transform_indices = @transform_5, window_bounds = array<i64: 1, 128>}, {transform_indices = @transform_6, window_bounds = array<i64: 4000, 1>}, {transform_indices = @transform_7, window_bounds = array<i64: 4000, 128>}]} {
    %get3A = arith.constant 0 : index
    %get3A_0 = arith.constant 0 : index
    %get3A_1 = vector.load %arg1[%get3A, %get3A_0] : memref<4000x16xf32, #tpu.memory_space<vmem>>, vector<4000x16xf32>
    %get3A_2 = arith.constant 0 : index
    %get3A_3 = arith.constant 0 : index
    %get3A_4 = vector.load %arg4[%get3A_2, %get3A_3] : memref<16x128xf32, #tpu.memory_space<vmem>>, vector<16x128xf32>
    %dot_general3A = arith.constant dense<0.000000e+00> : vector<4000x128xf32>
    %dot_general3A_5 = tpu.matmul %get3A_1, %get3A_4, %dot_general3A {dimension_numbers = #tpu.dot_dimension_numbers<[1], [0], [0], [1], [0, 0, 1, 1], [], []>, transpose_lhs_hint = false} : vector<4000x16xf32>, vector<16x128xf32>, vector<4000x128xf32> -> vector<4000x128xf32>
    %get3A_6 = arith.constant 0 : index
    %get3A_7 = arith.constant 0 : index
    %get3A_8 = arith.constant 0 : index
    %get3A_9 = vector.load %arg2[%get3A_6, %get3A_7, %get3A_8] : memref<1x4000x128xf32, #tpu.memory_space<vmem>>, vector<1x4000x128xf32>
    %get3A_10 = vector.shape_cast %get3A_9 : vector<1x4000x128xf32> to vector<4000x128xf32>
    %add3A = arith.addf %dot_general3A_5, %get3A_10 : vector<4000x128xf32>
    %get3A_11 = arith.constant 0 : index
    %get3A_12 = arith.constant 0 : index
    %get3A_13 = arith.constant 0 : index
    %get3A_14 = vector.load %arg3[%get3A_11, %get3A_12, %get3A_13] : memref<1x4000x128xf32, #tpu.memory_space<vmem>>, vector<1x4000x128xf32>
    %get3A_15 = vector.shape_cast %get3A_14 : vector<1x4000x128xf32> to vector<4000x128xf32>
    %add3A_16 = arith.addf %add3A, %get3A_15 : vector<4000x128xf32>
    %max3A = arith.constant 0.000000e+00 : f32
    %max3A_17 = vector.broadcast %max3A : f32 to vector<4000x128xf32>
    %max3A_18 = arith.maximumf %add3A_16, %max3A_17 : vector<4000x128xf32>
    %get3A_19 = arith.constant 0 : index
    %get3A_20 = arith.constant 0 : index
    %get3A_21 = vector.load %arg5[%get3A_19, %get3A_20] : memref<128x128xf32, #tpu.memory_space<vmem>>, vector<128x128xf32>
    %dot_general3A_22 = arith.constant dense<0.000000e+00> : vector<4000x128xf32>
    %dot_general3A_23 = tpu.matmul %max3A_18, %get3A_21, %dot_general3A_22 {dimension_numbers = #tpu.dot_dimension_numbers<[1], [0], [0], [1], [0, 0, 1, 1], [], []>, transpose_lhs_hint = false} : vector<4000x128xf32>, vector<128x128xf32>, vector<4000x128xf32> -> vector<4000x128xf32>
    %get3A_24 = arith.constant 0 : index
    %get3A_25 = arith.constant 0 : index
    %get3A_26 = vector.load %arg6[%get3A_24, %get3A_25] : memref<1x128xf32, #tpu.memory_space<vmem>>, vector<1x128xf32>
    %add3A_27 = vector.broadcast %get3A_26 : vector<1x128xf32> to vector<4000x128xf32>
    %add3A_28 = arith.addf %dot_general3A_23, %add3A_27 : vector<4000x128xf32>
    %get3A_29 = arith.constant 0 : index
    %get3A_30 = arith.constant 0 : index
    %get3A_31 = vector.load %arg7[%get3A_29, %get3A_30] : memref<4000x1xf32, #tpu.memory_space<vmem>>, vector<4000x1xf32>
    %mul3A = vector.broadcast %get3A_31 : vector<4000x1xf32> to vector<4000x128xf32>
    %mul3A_32 = arith.mulf %add3A_28, %mul3A : vector<4000x128xf32>
    %swap3A = arith.constant 0 : index
    %swap3A_33 = arith.constant 0 : index
    %swap3A_34 = vector.load %arg8[%swap3A, %swap3A_33] : memref<4000x128xf32, #tpu.memory_space<vmem>>, vector<4000x128xf32>
    tpu.vector_store %arg8[%swap3A, %swap3A_33], %mul3A_32 {strides = array<i32>} : memref<4000x128xf32, #tpu.memory_space<vmem>>, vector<4000x128xf32>,
    return
  }
  func.func @transform_0(%arg0: i32) -> (i32, i32) {
    %c0_i32 = arith.constant 0 : i32
    %c0_i32_0 = arith.constant 0 : i32
    return %arg0, %c0_i32 : i32, i32
  }
  func.func @transform_1(%arg0: i32) -> (i32, i32, i32) {
    %c0_i32 = arith.constant 0 : i32
    %c0_i32_0 = arith.constant 0 : i32
    %c0_i32_1 = arith.constant 0 : i32
    return %c0_i32, %arg0, %c0_i32_0 : i32, i32, i32
  }
  func.func @transform_2(%arg0: i32) -> (i32, i32, i32) {
    %c1_i32 = arith.constant 1 : i32
    %c0_i32 = arith.constant 0 : i32
    %c0_i32_0 = arith.constant 0 : i32
    return %c1_i32, %arg0, %c0_i32 : i32, i32, i32
  }
  func.func @transform_3(%arg0: i32) -> (i32, i32) {
    %c0_i32 = arith.constant 0 : i32
    %c0_i32_0 = arith.constant 0 : i32
    %c0_i32_1 = arith.constant 0 : i32
    return %c0_i32, %c0_i32_0 : i32, i32
  }
  func.func @transform_4(%arg0: i32) -> (i32, i32) {
    %c0_i32 = arith.constant 0 : i32
    %c0_i32_0 = arith.constant 0 : i32
    %c0_i32_1 = arith.constant 0 : i32
    return %c0_i32, %c0_i32_0 : i32, i32
  }
  func.func @transform_5(%arg0: i32) -> (i32, i32) {
    %c0_i32 = arith.constant 0 : i32
    %c0_i32_0 = arith.constant 0 : i32
    %c0_i32_1 = arith.constant 0 : i32
    return %c0_i32, %c0_i32_0 : i32, i32
  }
  func.func @transform_6(%arg0: i32) -> (i32, i32) {
    %c0_i32 = arith.constant 0 : i32
    %c0_i32_0 = arith.constant 0 : i32
    return %arg0, %c0_i32 : i32, i32
  }
  func.func @transform_7(%arg0: i32) -> (i32, i32) {
    %c0_i32 = arith.constant 0 : i32
    %c0_i32_0 = arith.constant 0 : i32
    return %arg0, %c0_i32 : i32, i32
  }
}

module attributes {stable_mosaic.version = 14 : i64} {
  func.func @_node_body(%arg0: i32, %arg1: memref<2000x128xf32, #tpu.memory_space<vmem>>, %arg2: memref<2000x128xf32, #tpu.memory_space<vmem>>, %arg3: memref<2000x128xf32, #tpu.memory_space<vmem>>, %arg4: memref<128x128xf32, #tpu.memory_space<vmem>>, %arg5: memref<128x128xf32, #tpu.memory_space<vmem>>, %arg6: memref<1x128xf32, #tpu.memory_space<vmem>>, %arg7: memref<128x128xf32, #tpu.memory_space<vmem>>, %arg8: memref<1x128xf32, #tpu.memory_space<vmem>>, %arg9: memref<2000x1xf32, #tpu.memory_space<vmem>>, %arg10: memref<2000x128xf32, #tpu.memory_space<vmem>>) attributes {dimension_semantics = [#tpu.dimension_semantics<arbitrary>], iteration_bounds = array<i64: 5>, scalar_prefetch = 0 : i64, scratch_operands = 0 : i64, tpu.core_type = #tpu.core_type<tc>, window_params = [{transform_indices = @transform_0, window_bounds = array<i64: 2000, 128>}, {transform_indices = @transform_1, window_bounds = array<i64: 2000, 128>}, {transform_indices = @transform_2, window_bounds = array<i64: 2000, 128>}, {pipeline_mode = #tpu.pipeline_mode<synchronous>, transform_indices = @transform_3, window_bounds = array<i64: 128, 128>}, {pipeline_mode = #tpu.pipeline_mode<synchronous>, transform_indices = @transform_4, window_bounds = array<i64: 128, 128>}, {pipeline_mode = #tpu.pipeline_mode<synchronous>, transform_indices = @transform_5, window_bounds = array<i64: 1, 128>}, {pipeline_mode = #tpu.pipeline_mode<synchronous>, transform_indices = @transform_6, window_bounds = array<i64: 128, 128>}, {pipeline_mode = #tpu.pipeline_mode<synchronous>, transform_indices = @transform_7, window_bounds = array<i64: 1, 128>}, {transform_indices = @transform_8, window_bounds = array<i64: 2000, 1>}, {transform_indices = @transform_9, window_bounds = array<i64: 2000, 128>}]} {
    %get3A = arith.constant 0 : index
    %get3A_0 = arith.constant 0 : index
    %get3A_1 = vector.load %arg1[%get3A, %get3A_0] : memref<2000x128xf32, #tpu.memory_space<vmem>>, vector<2000x128xf32>
    %get3A_2 = arith.constant 0 : index
    %get3A_3 = arith.constant 0 : index
    %get3A_4 = vector.load %arg2[%get3A_2, %get3A_3] : memref<2000x128xf32, #tpu.memory_space<vmem>>, vector<2000x128xf32>
    %add3A = arith.addf %get3A_1, %get3A_4 : vector<2000x128xf32>
    %get3A_5 = arith.constant 0 : index
    %get3A_6 = arith.constant 0 : index
    %get3A_7 = vector.load %arg3[%get3A_5, %get3A_6] : memref<2000x128xf32, #tpu.memory_space<vmem>>, vector<2000x128xf32>
    %get3A_8 = arith.constant 0 : index
    %get3A_9 = arith.constant 0 : index
    %get3A_10 = vector.load %arg4[%get3A_8, %get3A_9] : memref<128x128xf32, #tpu.memory_space<vmem>>, vector<128x128xf32>
    %dot_general3A = arith.constant dense<0.000000e+00> : vector<2000x128xf32>
    %dot_general3A_11 = tpu.matmul %add3A, %get3A_10, %dot_general3A {dimension_numbers = #tpu.dot_dimension_numbers<[1], [0], [0], [1], [0, 0, 1, 1], [], []>, transpose_lhs_hint = false} : vector<2000x128xf32>, vector<128x128xf32>, vector<2000x128xf32> -> vector<2000x128xf32>
    %get3A_12 = arith.constant 0 : index
    %get3A_13 = arith.constant 0 : index
    %get3A_14 = vector.load %arg5[%get3A_12, %get3A_13] : memref<128x128xf32, #tpu.memory_space<vmem>>, vector<128x128xf32>
    %dot_general3A_15 = arith.constant dense<0.000000e+00> : vector<2000x128xf32>
    %dot_general3A_16 = tpu.matmul %get3A_7, %get3A_14, %dot_general3A_15 {dimension_numbers = #tpu.dot_dimension_numbers<[1], [0], [0], [1], [0, 0, 1, 1], [], []>, transpose_lhs_hint = false} : vector<2000x128xf32>, vector<128x128xf32>, vector<2000x128xf32> -> vector<2000x128xf32>
    %add3A_17 = arith.addf %dot_general3A_11, %dot_general3A_16 : vector<2000x128xf32>
    %get3A_18 = arith.constant 0 : index
    %get3A_19 = arith.constant 0 : index
    %get3A_20 = vector.load %arg6[%get3A_18, %get3A_19] : memref<1x128xf32, #tpu.memory_space<vmem>>, vector<1x128xf32>
    %add3A_21 = vector.broadcast %get3A_20 : vector<1x128xf32> to vector<2000x128xf32>
    %add3A_22 = arith.addf %add3A_17, %add3A_21 : vector<2000x128xf32>
    %max3A = arith.constant 0.000000e+00 : f32
    %max3A_23 = vector.broadcast %max3A : f32 to vector<2000x128xf32>
    %max3A_24 = arith.maximumf %add3A_22, %max3A_23 : vector<2000x128xf32>
    %get3A_25 = arith.constant 0 : index
    %get3A_26 = arith.constant 0 : index
    %get3A_27 = vector.load %arg7[%get3A_25, %get3A_26] : memref<128x128xf32, #tpu.memory_space<vmem>>, vector<128x128xf32>
    %dot_general3A_28 = arith.constant dense<0.000000e+00> : vector<2000x128xf32>
    %dot_general3A_29 = tpu.matmul %max3A_24, %get3A_27, %dot_general3A_28 {dimension_numbers = #tpu.dot_dimension_numbers<[1], [0], [0], [1], [0, 0, 1, 1], [], []>, transpose_lhs_hint = false} : vector<2000x128xf32>, vector<128x128xf32>, vector<2000x128xf32> -> vector<2000x128xf32>
    %get3A_30 = arith.constant 0 : index
    %get3A_31 = arith.constant 0 : index
    %get3A_32 = vector.load %arg8[%get3A_30, %get3A_31] : memref<1x128xf32, #tpu.memory_space<vmem>>, vector<1x128xf32>
    %add3A_33 = vector.broadcast %get3A_32 : vector<1x128xf32> to vector<2000x128xf32>
    %add3A_34 = arith.addf %dot_general3A_29, %add3A_33 : vector<2000x128xf32>
    %get3A_35 = arith.constant 0 : index
    %get3A_36 = arith.constant 0 : index
    %get3A_37 = vector.load %arg9[%get3A_35, %get3A_36] : memref<2000x1xf32, #tpu.memory_space<vmem>>, vector<2000x1xf32>
    %mul3A = vector.broadcast %get3A_37 : vector<2000x1xf32> to vector<2000x128xf32>
    %mul3A_38 = arith.mulf %add3A_34, %mul3A : vector<2000x128xf32>
    %add3A_39 = arith.addf %get3A_7, %mul3A_38 : vector<2000x128xf32>
    %swap3A = arith.constant 0 : index
    %swap3A_40 = arith.constant 0 : index
    %swap3A_41 = vector.load %arg10[%swap3A, %swap3A_40] : memref<2000x128xf32, #tpu.memory_space<vmem>>, vector<2000x128xf32>
    tpu.vector_store %arg10[%swap3A, %swap3A_40], %add3A_39 {strides = array<i32>} : memref<2000x128xf32, #tpu.memory_space<vmem>>, vector<2000x128xf32>,
    return
  }
  func.func @transform_0(%arg0: i32) -> (i32, i32) {
    %c0_i32 = arith.constant 0 : i32
    %c0_i32_0 = arith.constant 0 : i32
    return %arg0, %c0_i32 : i32, i32
  }
  func.func @transform_1(%arg0: i32) -> (i32, i32) {
    %c0_i32 = arith.constant 0 : i32
    %c0_i32_0 = arith.constant 0 : i32
    return %arg0, %c0_i32 : i32, i32
  }
  func.func @transform_2(%arg0: i32) -> (i32, i32) {
    %c0_i32 = arith.constant 0 : i32
    %c0_i32_0 = arith.constant 0 : i32
    return %arg0, %c0_i32 : i32, i32
  }
  func.func @transform_3(%arg0: i32) -> (i32, i32) {
    %c0_i32 = arith.constant 0 : i32
    %c0_i32_0 = arith.constant 0 : i32
    %c0_i32_1 = arith.constant 0 : i32
    return %c0_i32, %c0_i32_0 : i32, i32
  }
  func.func @transform_4(%arg0: i32) -> (i32, i32) {
    %c0_i32 = arith.constant 0 : i32
    %c0_i32_0 = arith.constant 0 : i32
    %c0_i32_1 = arith.constant 0 : i32
    return %c0_i32, %c0_i32_0 : i32, i32
  }
  func.func @transform_5(%arg0: i32) -> (i32, i32) {
    %c0_i32 = arith.constant 0 : i32
    %c0_i32_0 = arith.constant 0 : i32
    %c0_i32_1 = arith.constant 0 : i32
    return %c0_i32, %c0_i32_0 : i32, i32
  }
  func.func @transform_6(%arg0: i32) -> (i32, i32) {
    %c0_i32 = arith.constant 0 : i32
    %c0_i32_0 = arith.constant 0 : i32
    %c0_i32_1 = arith.constant 0 : i32
    return %c0_i32, %c0_i32_0 : i32, i32
  }
  func.func @transform_7(%arg0: i32) -> (i32, i32) {
    %c0_i32 = arith.constant 0 : i32
    %c0_i32_0 = arith.constant 0 : i32
    %c0_i32_1 = arith.constant 0 : i32
    return %c0_i32, %c0_i32_0 : i32, i32
  }
  func.func @transform_8(%arg0: i32) -> (i32, i32) {
    %c0_i32 = arith.constant 0 : i32
    %c0_i32_0 = arith.constant 0 : i32
    return %arg0, %c0_i32 : i32, i32
  }
  func.func @transform_9(%arg0: i32) -> (i32, i32) {
    %c0_i32 = arith.constant 0 : i32
    %c0_i32_0 = arith.constant 0 : i32
    return %arg0, %c0_i32 : i32, i32
  }
}

</mosaic_0001>

<sc_bundles>
// kernel: kernel.10.cloned.1.call-start
scs
__scs_entry_jumppad:
0x0: {  	(pc) =	sbr.rel $0x88, $3  }
0x1: {  	(tag) =	ssettag $0x0;
	lr =	simm.s32 $0x1  }
0x2: {  	[smem:$0x3F93] =	sst lr;
	_ =	strace $0xD0000000  }
0x3: {  	_ = 	snop  }
0x4: {  	_ = 	snop  }
0x5: {  	_ = 	snop  }
0x6: {  	_ = 	snop  }
0x7: {  	_ = 	snop  }
__scs_overlays_trampoline_lowered:
0x8: {  	[smem:$0x3FA2] =	sst s0  }
0x9: {  	[smem:$0x3FA3] =	sst s1  }
0xa: {  	[smem:$0x3FA4] =	sst s2  }
0xb: {  	[smem:$0x3FA5] =	sst s3  }
0xc: {  	[smem:$0x3FA6] =	sst s4  }
0xd: {  	[smem:$0x3FA7] =	sst s5  }
0xe: {  	[smem:$0x3FA8] =	sst s6  }
0xf: {  	[smem:$0x3FA9] =	sst s7  }
0x10: {  	[smem:$0x3FAA] =	sst s8  }
0x11: {  	[smem:$0x3FAB] =	sst s9;
	s0 =	simm.s32 @!p0 $0x0  }
0x12: {  	s1 =	sld [smem:$0x3F91];
	s0 =	simm.s32 @p0 $0x1  }
0x13: {  	[smem:$0x3FAC] =	sst s0;
	s0 =	simm.s32 @!p1 $0x0  }
0x14: {  	s2 =	sld [smem:$0x3F90];
	s0 =	simm.s32 @p1 $0x1  }
0x15: {  	[smem:$0x3FAD] =	sst s0;
	s0 =	simm.s32 @!p2 $0x0  }
0x16: {  	s3 =	sld [smem:$0x3FDB];
	s0 =	simm.s32 @p2 $0x1  }
0x17: {  	s4 =	simm.s32 $0x1BF5;
	[smem:$0x3FAF] =	sst s0  }
0x18: {  	s0 =	sld [smem:$0x3F92];
	_ =	swait.ge [sflag:s4], $0x0  }
0x19: {  	s7 =	sld [smem:$0x3F93]  }
0x1a: {  	s8 =	sadd.s32 $0xFFFFE003, lr  }
0x1b: {  	s9 =	sadd.s32 $0xFFFFFEF7, lr;
	s5 =	simm.s32 $0xFFFFFFFF;
	p2 =	slt.u32 s8, $0xFFFFF086  }
0x1c: {  	p1 =	slt.u32 s9, $0xF7A;
	s5 =	simm.s32 @!p2 $0x0  }
0x1d: {  	s5 =	simm.s32 @p1 $0x1;
	p0 =	seq.s32 s7, s2  }
0x1e: {  	s7 =	smul.u32 @!p0 $0xF7A, s2;
	p2 =	seq.s32 @!p0 s5, $0x0  }
0x1f: {  	s9 =	smul.u32 $0xF7A, s1;
	s8 =	simm.s32 @!p0 $0x1BF5;
	p2 =	por !p2, p0  }
0x20: {  	[sflag:s8] =	ssyncset.s32 @!p0 $0xFFFFF086;
	s6 =	sadd.s32 @!p0 s3, s7;
	s7 =	simm.s32 @!p0 $0x108  }
0x21: {  	s3 =	sadd.s32 s3, s9;
	s6 =	sadd.s32 @!p0 $0x88, s6;
	s7 =	simm.s32 @p2 $0x1082  }
0x22: {  	[simem:s7], [sflag:s8] =	dma.local @!p0 [hbm:s6], $0xF7A  }
0x23: {  	s9 =	sor.u32 $0xD0000000, s2;
	s6 =	simm.s32 $0x108;
	_ =	swait.ge @!p0 [sflag:s8], $0x0  }
0x24: {  	s3 =	sadd.s32 $0x88, s3;
	s6 =	simm.s32 @!p1 $0x1082;
	[sflag:s4] =	ssyncset.s32 $0xFFFFF086  }
0x25: {  	[simem:s6], [sflag:s4] =	dma.local [hbm:s3], $0xF7A  }
0x26: {  	[smem:$0x3F93] =	sst s1;
	(tag) =	ssettag s2;
	_ =	strace s9  }
0x27: {  	s1 =	sld [smem:$0x3FA3]  }
0x28: {  	s2 =	sld [smem:$0x3FA4]  }
0x29: {  	s4 =	sld [smem:$0x3FA6]  }
0x2a: {  	p0 =	seq.s32 s5, $0x0;
	s5 =	sld [smem:$0x3FA7]  }
0x2b: {  	s6 =	sld [smem:$0x3FA8]  }
0x2c: {  	s7 =	sld [smem:$0x3FA9]  }
0x2d: {  	s3 =	simm.s32 $0x108;
	s8 =	sld [smem:$0x3FAA]  }
0x2e: {  	s3 =	simm.s32 @!p0 $0x1082;
	s9 =	sld [smem:$0x3FAB]  }
0x2f: {  	lr =	sadd.s32 s0, s3;
	s0 =	sld [smem:$0x3FA2]  }
0x30: {  	s3 =	sld [smem:$0x3FA5]  }
0x31: {  	[smem:$0x3FAE] =	sst s10  }
0x32: {  	s10 =	sld [smem:$0x3FAC];
	_ =	sdelay $0x3  }
0x33: {  	p0 =	seq.s32 s10, $0x1;
	s10 =	sld [smem:$0x3FAE];
	_ =	sdelay $0x3  }
0x34: {  	[smem:$0x3FAE] =	sst s10  }
0x35: {  	s10 =	sld [smem:$0x3FAD];
	_ =	sdelay $0x3  }
0x36: {  	p1 =	seq.s32 s10, $0x1;
	s10 =	sld [smem:$0x3FAE];
	_ =	sdelay $0x3  }
0x37: {  	[smem:$0x3FAE] =	sst s10  }
0x38: {  	s10 =	sld [smem:$0x3FAF]  }
0x39: {  	_ = 	snop;
	(pc) =	sbr.ind lr, $3  }
0x3a: {  	_ = 	snop  }
0x3b: {  	_ = 	snop  }
0x3c: {  	p2 =	seq.s32 s10, $0x1;
	s10 =	sld [smem:$0x3FAE]  }
0x3d: {  	_ =	shalt  }
0x3e: {  	_ =	shalt  }
0x3f: {  	_ =	shalt  }
0x40: {  	_ =	shalt  }
0x41: {  	_ =	shalt  }
0x42: {  	_ =	shalt  }
0x43: {  	_ =	shalt  }
0x44: {  	_ =	shalt  }
0x45: {  	_ =	shalt  }
0x46: {  	_ =	shalt  }
0x47: {  	_ =	shalt  }
0x48: {  	_ =	shalt  }
0x49: {  	_ =	shalt  }
0x4a: {  	_ =	shalt  }
0x4b: {  	_ =	shalt  }
0x4c: {  	_ =	shalt  }
0x4d: {  	_ =	shalt  }
0x4e: {  	_ =	shalt  }
0x4f: {  	_ =	shalt  }
0x50: {  	_ =	shalt  }
0x51: {  	_ =	shalt  }
0x52: {  	_ =	shalt  }
0x53: {  	_ =	shalt  }
0x54: {  	_ =	shalt  }
0x55: {  	_ =	shalt  }
0x56: {  	_ =	shalt  }
0x57: {  	_ =	shalt  }
0x58: {  	_ =	shalt  }
0x59: {  	_ =	shalt  }
0x5a: {  	_ =	shalt  }
0x5b: {  	_ =	shalt  }
0x5c: {  	_ =	shalt  }
0x5d: {  	_ =	shalt  }
0x5e: {  	_ =	shalt  }
0x5f: {  	_ =	shalt  }
0x60: {  	_ =	shalt  }
0x61: {  	_ =	shalt  }
0x62: {  	_ =	shalt  }
0x63: {  	_ =	shalt  }
0x64: {  	_ =	shalt  }
0x65: {  	_ =	shalt  }
0x66: {  	_ =	shalt  }
0x67: {  	_ =	shalt  }
0x68: {  	_ =	shalt  }
0x69: {  	_ =	shalt  }
0x6a: {  	_ =	shalt  }
0x6b: {  	_ =	shalt  }
0x6c: {  	_ =	shalt  }
0x6d: {  	_ =	shalt  }
0x6e: {  	_ =	shalt  }
0x6f: {  	_ =	shalt  }
0x70: {  	_ =	shalt  }
0x71: {  	_ =	shalt  }
0x72: {  	_ =	shalt  }
0x73: {  	_ =	shalt  }
0x74: {  	_ =	shalt  }
0x75: {  	_ =	shalt  }
0x76: {  	_ =	shalt  }
0x77: {  	_ =	shalt  }
0x78: {  	_ =	shalt  }
0x79: {  	_ =	shalt  }
0x7a: {  	_ =	shalt  }
0x7b: {  	_ =	shalt  }
0x7c: {  	_ =	shalt  }
0x7d: {  	_ =	shalt  }
0x7e: {  	_ =	shalt  }
0x7f: {  	_ =	shalt  }
0x80: {  	_ =	shalt  }
0x81: {  	_ =	shalt  }
0x82: {  	_ =	shalt  }
0x83: {  	_ =	shalt  }
0x84: {  	_ =	shalt  }
0x85: {  	_ =	shalt  }
0x86: {  	_ =	shalt  }
0x87: {  	_ =	shalt  }
.Lfunc_end0:
.L_simem_size_0:
called_computation.1_lowered:
.L_overlay_start_0:
0x88: {  	s2 =	sld [smem:$0x3FD9]  }
0x89: {  	s3 =	sld [smem:$0x3FFE];
	_ =	sdelay $0x1  }
0x8a: {  	s1 =	srdreg.scid  }
0x8b: {  	s0 =	sand.u32 $0x1, s1  }
0x8c: {  	s14 =	sshll.u32 s0, $0xA;
	s2 =	sadd.s32 s3, s2  }
0x8d: {  	s2 =	sadd.s32 s2, s14  }
0x8e: {  	[smem:$0x3FBA] =	sst s2  }
0x8f: {  	_ = 	snop  }
0x90: {  	s2 =	sld [smem:$0x3FD0];
	_ =	sdelay $0x2  }
0x91: {  	s15 =	simm.s32 $0xA;
	s4 =	simm.s32 $0x10  }
0x92: {  	[smem:s4], [sflag:s15] =	dma.local [hbm:s2], $0x1  }
0x93: {  	_ =	swait.eq [sflag:s15], $0x1  }
0x94: {  	[sflag:s15] =	ssyncset.done $0x0  }
0x95: {  	s16 =	sld [smem:$0x10];
	[sflag:s15] =	ssyncadd.s32 $0xFFFFFFFF  }
0x96: {  	s17 =	sld [smem:$0x11];
	(tm) =	ssettm $0x1  }
0x97: {  	s18 =	sld [smem:$0x3FFB];
	_ =	sdelay $0x3  }
0x98: {  	_ =	strace s18  }
0x99: {  	s4 =	sld [smem:$0x3FFC];
	_ =	sdelay $0x3  }
0x9a: {  	_ =	strace s4  }
0x9b: {  	s4 =	sld [smem:$0x3FFD];
	_ =	sdelay $0x3  }
0x9c: {  	_ =	strace s4  }
0x9d: {  	_ =	strace $0x8FFFFFFF  }
0x9e: {  	s19 =	sld [smem:$0x3FDB];
	_ =	sdelay $0x1  }
0x9f: {  	s5 =	simm.s32 $_scs_section_size  }
0xa0: {  	s6 =	simm.s32 $_size__tile_overlayer_lowered;
	s7 =	simm.s32 $_tile_overlayer_lowered  }
0xa1: {  	s22 =	simm.s32 $0x1BFF;
	s21 =	sshll.u32 s7, $0x1;
	s4 =	sadd.s32 s5, s19  }
0xa2: {  	s8 =	simm.s32 $0x0;
	s20 =	sshll.u32 s6, $0x1;
	s6 =	sadd.s32 s21, s4  }
0xa3: {  	[timem:s8], [sflag:s22] =	dma.local [hbm:s6], s20  }
0xa4: {  	_ =	swait.ge [sflag:s22], s20  }
0xa5: {  	s5 =	ssub.s32 $0x0, s20;
	[sflag:s22] =	ssyncset.done $0x0  }
0xa6: {  	[sflag:s22] =	ssyncadd.s32 s5;
	_ =	sdelay $0x1  }
0xa7: {  	s23 =	simm.s32 $0x1B8B  }
0xa8: {  	_ =	swait.ge [sflag:s23], $0x1  }
0xa9: {  	[sflag:s23] =	ssyncset.done $0x0  }
0xaa: {  	s25 =	simm.s32 $0x1B8E;
	s24 =	sld [smem:$0x3FFE];
	[sflag:s23] =	ssyncadd.s32 $0xFFFFFFFF  }
0xab: {  	s26 =	simm.s32 $execute0_lowered;
	[smem:$0x3FD2] =	sst s25  }
0xac: {  	s6 =	sshll.u32 s26, $0x1;
	_ =	strace $0x80000049;
	[dreg:$0x1] =	wrdreg $0xFFFFFFFF  }
0xad: {  	s28 =	simm.s32 $_size_execute0_lowered;
	s4 =	sadd.s32 s4, s6;
	[dreg:$0x0] =	wrdreg $0x0  }
0xae: {  	s6 =	sshll.u32 s28, $0x1;
	[dreg:$0x2] =	wrdreg s4  }
0xaf: {  	[dreg:$0x3] =	wrdreg s6  }
0xb0: {  	[dreg:$0x4] =	wrdreg $0xC0  }
0xb1: {  	_ =	task [dreg:s8], $0x5FFFF  }
0xb2: {  	[dreg:$0x1] =	wrdreg $0xFFFFFFFF  }
0xb3: {  	[dreg:$0x0] =	wrdreg $0x60  }
0xb4: {  	[dreg:$0x2] =	wrdreg s17  }
0xb5: {  	[dreg:$0x3] =	wrdreg s24  }
0xb6: {  	[dreg:$0x4] =	wrdreg s16  }
0xb7: {  	[dreg:$0x5] =	wrdreg $0x90000  }
0xb8: {  	[dreg:$0x6] =	wrdreg $0x9  }
0xb9: {  	_ =	task.clear_ibuf [dreg:s8], $0x7FFFF;
	_ =	strace $0x90000049  }
0xba: {  	s29 =	simm.s32 $0x9;
	_ =	strace $0x8000004B  }
0xbb: {  	_ =	swait.ge [sflag:s29], $0x1  }
0xbc: {  	[sflag:s29] =	ssyncadd.s32 $0xFFFFFFFF  }
0xbd: {  	_ =	strace $0x9000004B  }
0xbe: {  	_ =	sfence  }
0xbf: {  	s30 =	sld [smem:$0x0];
	_ =	sdelay $0x2  }
0xc0: {  	s31 =	sshll.u32 s1, $0xD;
	s1 =	sshrl.u32 s1, $0x2  }
0xc1: {  	s3 =	sand.u32 $0x4000, s31;
	s1 =	sadd.s32 s1, s30  }
0xc2: {  	s0 =	sor.u32 s3, s0;
	s1 =	sshll.u32 s1, $0x11  }
0xc3: {  	s0 =	sor.u32 s1, s0  }
0xc4: {  	s0 =	sadd.s32 $0x8F2B, s0  }
0xc5: {  	[sflag:s0] =	ssyncadd.remote.s32 $0x1  }
0xc6: {  	_ =	sfence.sel $0xFFFF  }
0xc7: {  	[dreg:$0x0] =	wrdreg $0xFFFFFFFF;
	(pc) =	sbr.abs _section_cstart, $3  }
0xc8: {  	[dreg:$0x1] =	wrdreg $0xFFFFFFFF  }
0xc9: {  	_ =	task.clear_ibuf [dreg:s8], $0x2FFFF;
	_ =	strace $0x9FFFFFFF  }
0xca: {  	(tm) =	ssettm $0x7FFFFFFF  }
0xcb: {  	_ =	shalt  }
tec
execute0_lowered:
.L_overlay_start_1:
0x0: {  	(tag) =	ssettag $0x1  }
0x1: {  	s8 =	rddreg [dreg:$0x0]  }
0x2: {  	s5 =	rddreg [dreg:$0x1]  }
0x3: {  	s2 =	rddreg [dreg:$0x2];
	s0 =	srdreg.scid  }
0x4: {  	s3 =	rddreg [dreg:$0x3];
	s1 =	stileid.u32  }
0x5: {  	s4 =	simm.s32 $0x0;
	s15 =	simm.s32 $0x4000;
	s16 =	simm.s32 $0x6800  }
0x6: {  	s17 =	simm.s32 $0x1;
	s18 =	simm.s32 $0x50;
	s19 =	simm.s32 $0x2  }
0x7: {  	s20 =	simm.s32 $0x3D00;
	s21 =	simm.s32 $0x3D80;
	s10 =	smul.u32 $0x14000, s1  }
0x8: {  	s6 =	sand.u32 $0x1, s0;
	s0 =	rddreg [dreg:$0x4];
	s12 =	smul.u32 $0x50000, s1  }
0x9: {  	s7 =	sshll.u32 s1, $0x1;
	[smem:$0x7FF] =	sst s4;
	s26 =	smul.u32 $0x4E200, s1  }
0xa: {  	s31 =	sshll.u32 s1, $0x6;
	s9 =	smul.u32 $0x140000, s6;
	s7 =	sor.u32 s6, s7  }
0xb: {  	_ =	strace $0x8000004A;
	s22 =	ssub.s32 $0x2, s6;
	s29 =	smul.u32 $0x27100, s6  }
0xc: {  	s11 =	sshll.u32 s7, $0xB;
	s23 =	sshrl.u32 s22, $0x1;
	s13 =	smul.u32 $0x138800, s7  }
0xd: {  	s7 =	smul.u32 $0x27100, s7;
	s24 =	sshrl.u32 s12, $0x2;
	s12 =	simm.s32 $0x3  }
0xe: {  	s11 =	sadd.s32 s11, s5;
	s9 =	sadd.s32 s10, s9;
	s10 =	ssub.s32 s22, s23  }
0xf: {  	s14 =	sadd.s32 s24, s3;
	s22 =	simm.s32 $0x3E00;
	s23 =	simm.s32 $0x0  }
0x10: {  	s9 =	sshrl.u32 s9, $0x3;
	s25 =	sshrl.u32 s13, $0x3;
	s6 =	sadd.s32 s8, s7  }
0x11: {  	s13 =	sadd.s32 s26, s8;
	s10 =	smax.u32 s10, $0x1;
	s14 =	sshrl.u32 s14, $0x3  }
0x12: {  	s9 =	sadd.s32 s9, s5;
	s5 =	sadd.s32 $0x9C7400, s11;
	s28 =	sadd.s32 s8, s25  }
0x13: {  	s30 =	sadd.s32 s29, s13;
	s13 =	sor.u32 $0x1C03, s31;
	s7 =	sadd.s32 $0x500, s28  }
0x14: {  	s8 =	sadd.s32 $0x26C00, s28;
	s9 =	sadd.s32 $0x3400, s9;
	s11 =	sadd.s32 $0xF00, s30  }
.LBB2_1:
0x15: {  	[tilespmem:s4], [sflag:$0x3] =	stream.linear.gather [hbm4b:s5+s4], $0x3E80, $0x38;
	[tilespmem:$0x1D000] =	vst v63  }
0x16: {  	_ =	swait.ge [sflag:s12], $0x3E80  }
0x17: {  	[sflag:s12] =	ssyncset.done $0x0  }
0x18: {  	[sflag:s12] =	ssyncadd.s32 $0xFFFFC180  }
0x19: {  	[spmem:s14], [sflag:s13] =	dma.local [hbm:s2], $0x2800  }
0x1a: {  	_ =	swait.ge [sflag:s12], $0x2800  }
0x1b: {  	[sflag:s12] =	ssyncset.done $0x0  }
0x1c: {  	[sflag:s12] =	ssyncadd.s32 $0xFFFFD800  }
0x1d: {  	[bflag:$0x0] =	sbarrier.arrive $0xFFFF  }
0x1e: {  	[tilespmem:s15], [sflag:$0x1] =	stream.linear.gather [hbm4b:s6+s4], $0x2800, $0x38;
	[tilespmem:$0x1D000] =	vst v63  }
0x1f: {  	_ = 	snop  }
0x20: {  	[tilespmem:s16], [sflag:$0x2] =	stream.linear.gather [hbm4b:s7+s4], $0x2800, $0x38;
	[tilespmem:$0x1D000] =	vst v63  }
0x21: {  	_ =	swait.ge [sflag:s17], $0x2800  }
0x22: {  	[sflag:s17] =	ssyncset.done $0x0  }
0x23: {  	s24 =	simm.s32 $0x0;
	[sflag:s17] =	ssyncadd.s32 $0xFFFFD800  }
0x24: {  	[spmem:s3] =	stream.indirect.scatter.add.f32 [tilespmem:s15], [sflag:$0x3], $0x80, s24, s18, $0xb8;
	[tilespmem:$0x1D000] =	vst v63  }
0x25: {  	_ =	swait.ge [sflag:s12], $0x2800  }
0x26: {  	[sflag:s12] =	ssyncset.done $0x0  }
0x27: {  	s30 =	sadd.s32 $0xFFFFFB00, s11;
	[sflag:s12] =	ssyncadd.s32 $0xFFFFD800  }
0x28: {  	[tilespmem:s15], [sflag:$0x1] =	stream.linear.gather [hbm4b:s30+s4], $0x2800, $0x38;
	[tilespmem:$0x1D000] =	vst v63  }
0x29: {  	_ =	swait.ge [sflag:s19], $0x2800  }
0x2a: {  	[sflag:s19] =	ssyncset.done $0x0  }
0x2b: {  	s31 =	simm.s32 $0x80;
	[sflag:s19] =	ssyncadd.s32 $0xFFFFD800  }
0x2c: {  	[spmem:s3] =	stream.indirect.scatter.add.f32 [tilespmem:s16], [sflag:$0x3], $0x80, s31, s18, $0xb8;
	[tilespmem:$0x1D000] =	vst v63  }
0x2d: {  	_ =	swait.ge [sflag:s12], $0x2800  }
0x2e: {  	s25 =	sadd.s32 $0xA00, s11;
	[sflag:s12] =	ssyncset.done $0x0  }
0x2f: {  	s26 =	smov.u32 s11;
	s24 =	simm.s32 $0x400;
	[sflag:s12] =	ssyncadd.s32 $0xFFFFD800  }
.LBB2_2:
0x30: {  	[tilespmem:s16], [sflag:$0x2] =	stream.linear.gather [hbm4b:s26+s4], $0x2800, $0x38;
	[tilespmem:$0x1D000] =	vst v63  }
0x31: {  	s28 =	smov.u32 s24;
	s26 =	smov.u32 s25  }
0x32: {  	p0 =	sne.s32 s24, $0xF000;
	s24 =	sadd.s32 $0x400, s24;
	_ =	swait.ge [sflag:s17], $0x2800  }
0x33: {  	[sflag:s17] =	ssyncset.done $0x0  }
0x34: {  	s28 =	sshra.s32 s28, $0x2;
	[sflag:s17] =	ssyncadd.s32 $0xFFFFD800  }
0x35: {  	[spmem:s3] =	stream.indirect.scatter.add.f32 [tilespmem:s15], [sflag:$0x3], $0x80, s28, s18, $0xb8;
	[tilespmem:$0x1D000] =	vst v63  }
0x36: {  	_ =	swait.ge [sflag:s12], $0x2800  }
0x37: {  	[sflag:s12] =	ssyncset.done $0x0  }
0x38: {  	s29 =	sadd.s32 $0xFFFFFB00, s25;
	[sflag:s12] =	ssyncadd.s32 $0xFFFFD800  }
0x39: {  	[tilespmem:s15], [sflag:$0x1] =	stream.linear.gather [hbm4b:s29+s4], $0x2800, $0x38;
	[tilespmem:$0x1D000] =	vst v63  }
0x3a: {  	_ =	swait.ge [sflag:s19], $0x2800  }
0x3b: {  	[sflag:s19] =	ssyncset.done $0x0  }
.Ltmp0:
0x3c: {  	s28 =	sadd.s32 $0x80, s28;
	[sflag:s19] =	ssyncadd.s32 $0xFFFFD800;
	(pc) =	sbr.rel @p0 .LBB2_2-.Ltmp0, $4  }
0x3d: {  	[spmem:s3] =	stream.indirect.scatter.add.f32 [tilespmem:s16], [sflag:$0x3], $0x80, s28, s18, $0xb8;
	[tilespmem:$0x1D000] =	vst v63  }
0x3e: {  	_ =	swait.ge [sflag:s12], $0x2800  }
0x3f: {  	[sflag:s12] =	ssyncset.done $0x0  }
0x40: {  	s25 =	sadd.s32 $0xA00, s25;
	[sflag:s12] =	ssyncadd.s32 $0xFFFFD800  }
0x41: {  	[tilespmem:s16], [sflag:$0x2] =	stream.linear.gather [hbm4b:s26+s4], $0x2800, $0x38;
	[tilespmem:$0x1D000] =	vst v63  }
0x42: {  	_ =	swait.ge [sflag:s17], $0x2800  }
0x43: {  	[sflag:s17] =	ssyncset.done $0x0  }
0x44: {  	[sflag:s17] =	ssyncadd.s32 $0xFFFFD800  }
0x45: {  	[spmem:s3] =	stream.indirect.scatter.add.f32 [tilespmem:s15], [sflag:$0x3], $0x80, s20, s18, $0xb8;
	[tilespmem:$0x1D000] =	vst v63  }
0x46: {  	_ =	swait.ge [sflag:s12], $0x2800  }
0x47: {  	[sflag:s12] =	ssyncset.done $0x0  }
0x48: {  	[sflag:s12] =	ssyncadd.s32 $0xFFFFD800  }
0x49: {  	[tilespmem:s15], [sflag:$0x1] =	stream.linear.gather [hbm4b:s8+s4], $0x2800, $0x38;
	[tilespmem:$0x1D000] =	vst v63  }
0x4a: {  	_ =	swait.ge [sflag:s19], $0x2800  }
0x4b: {  	[sflag:s19] =	ssyncset.done $0x0  }
0x4c: {  	[sflag:s19] =	ssyncadd.s32 $0xFFFFD800  }
0x4d: {  	[spmem:s3] =	stream.indirect.scatter.add.f32 [tilespmem:s16], [sflag:$0x3], $0x80, s21, s18, $0xb8;
	[tilespmem:$0x1D000] =	vst v63  }
0x4e: {  	_ =	swait.ge [sflag:s12], $0x2800  }
0x4f: {  	[sflag:s12] =	ssyncset.done $0x0  }
0x50: {  	[sflag:s12] =	ssyncadd.s32 $0xFFFFD800  }
0x51: {  	_ =	swait.ge [sflag:s17], $0x2800  }
0x52: {  	[sflag:s17] =	ssyncset.done $0x0  }
0x53: {  	[sflag:s17] =	ssyncadd.s32 $0xFFFFD800  }
0x54: {  	[spmem:s3] =	stream.indirect.scatter.add.f32 [tilespmem:s15], [sflag:$0x3], $0x80, s22, s18, $0xb8;
	[tilespmem:$0x1D000] =	vst v63  }
0x55: {  	_ =	swait.ge [sflag:s12], $0x2800  }
0x56: {  	s23 =	sadd.s32 $0x1, s23;
	[sflag:s12] =	ssyncset.done $0x0  }
0x57: {  	p0 =	sne.s32 s23, s10;
	[sflag:s12] =	ssyncadd.s32 $0xFFFFD800  }
.Ltmp1:
0x58: {  	[bflag:$0x0] =	sbarrier.arrive $0xFFFF;
	(pc) =	sbr.rel @p0 .LBB2_1-.Ltmp1, $4  }
0x59: {  	[hbm:s9], [sflag:s13] =	dma.local [spmem:s14], $0x2800  }
0x5a: {  	_ =	swait.ge [sflag:s12], $0x2800  }
0x5b: {  	[sflag:s12] =	ssyncset.done $0x0  }
0x5c: {  	[sflag:s12] =	ssyncadd.s32 $0xFFFFD800  }
0x5d: {  	_ =	sfence.sel $0x180000  }
0x5e: {  	[bflag:$0x0] =	sbarrier.arrive $0xFFFF  }
0x5f: {  	p0 =	sne.s32 s1, $0x0;
	_ =	strace $0x9000004A  }
0x60: {  	s0 =	sadd.s32 @!p0 $0x100000, s0;
	[bflag:$0x2] =	sbarrier.arrive $0xFFFF  }
0x61: {  	[sflag:s0] =	ssyncadd.tile.s32 @!p0 $0x1;
	_ =	shalt  }
.Lfunc_end2:
_tile_overlayer_lowered:
.L_overlay_start_2:
0x62: {  	(tag) =	ssettag $0x2  }
0x63: {  	s0 =	rddreg [dreg:$0x0];
	s2 =	stileid.u32  }
0x64: {  	s1 =	rddreg [dreg:$0x1];
	p0 =	sne.s32 s2, $0x0  }
0x65: {  	s3 =	rddreg [dreg:$0x2];
	[bflag:$0x3] =	sbarrier.arrive $0xFFFF;
	s2 =	simm.s32 @!p0 $0x1C03  }
0x66: {  	[timem:s3], [sflag:s2] =	dma.local @!p0 [hbm:s0], s1  }
0x67: {  	s0 =	simm.s32 @!p0 $0x3  }
0x68: {  	_ =	swait.ge @!p0 [sflag:s0], s1  }
0x69: {  	s1 =	ssub.s32 @!p0 $0x0, s1;
	[sflag:s0] =	ssyncset.done @!p0 $0x0  }
0x6a: {  	[sflag:s0] =	ssyncadd.s32 @!p0 s1  }
0x6b: {  	[bflag:$0x3] =	sbarrier.arrive $0xFFFF  }
0x6c: {  	_ =	shalt  }

// kernel: kernel.7.cloned.1.call-start
scs
__scs_entry_jumppad:
0x0: {  	(pc) =	sbr.rel $0x88, $3  }
0x1: {  	(tag) =	ssettag $0x0;
	lr =	simm.s32 $0x1  }
0x2: {  	[smem:$0x3F93] =	sst lr;
	_ =	strace $0xD0000000  }
0x3: {  	_ = 	snop  }
0x4: {  	_ = 	snop  }
0x5: {  	_ = 	snop  }
0x6: {  	_ = 	snop  }
0x7: {  	_ = 	snop  }
__scs_overlays_trampoline_lowered:
0x8: {  	[smem:$0x3FA2] =	sst s0  }
0x9: {  	[smem:$0x3FA3] =	sst s1  }
0xa: {  	[smem:$0x3FA4] =	sst s2  }
0xb: {  	[smem:$0x3FA5] =	sst s3  }
0xc: {  	[smem:$0x3FA6] =	sst s4  }
0xd: {  	[smem:$0x3FA7] =	sst s5  }
0xe: {  	[smem:$0x3FA8] =	sst s6  }
0xf: {  	[smem:$0x3FA9] =	sst s7  }
0x10: {  	[smem:$0x3FAA] =	sst s8  }
0x11: {  	[smem:$0x3FAB] =	sst s9;
	s0 =	simm.s32 @!p0 $0x0  }
0x12: {  	s1 =	sld [smem:$0x3F91];
	s0 =	simm.s32 @p0 $0x1  }
0x13: {  	[smem:$0x3FAC] =	sst s0;
	s0 =	simm.s32 @!p1 $0x0  }
0x14: {  	s2 =	sld [smem:$0x3F90];
	s0 =	simm.s32 @p1 $0x1  }
0x15: {  	[smem:$0x3FAD] =	sst s0;
	s0 =	simm.s32 @!p2 $0x0  }
0x16: {  	s3 =	sld [smem:$0x3FDB];
	s0 =	simm.s32 @p2 $0x1  }
0x17: {  	s4 =	simm.s32 $0x1BF5;
	[smem:$0x3FAF] =	sst s0  }
0x18: {  	s0 =	sld [smem:$0x3F92];
	_ =	swait.ge [sflag:s4], $0x0  }
0x19: {  	s7 =	sld [smem:$0x3F93]  }
0x1a: {  	s8 =	sadd.s32 $0xFFFFE003, lr  }
0x1b: {  	s9 =	sadd.s32 $0xFFFFFEF7, lr;
	s5 =	simm.s32 $0xFFFFFFFF;
	p2 =	slt.u32 s8, $0xFFFFF086  }
0x1c: {  	p1 =	slt.u32 s9, $0xF7A;
	s5 =	simm.s32 @!p2 $0x0  }
0x1d: {  	s5 =	simm.s32 @p1 $0x1;
	p0 =	seq.s32 s7, s2  }
0x1e: {  	s7 =	smul.u32 @!p0 $0xF7A, s2;
	p2 =	seq.s32 @!p0 s5, $0x0  }
0x1f: {  	s9 =	smul.u32 $0xF7A, s1;
	s8 =	simm.s32 @!p0 $0x1BF5;
	p2 =	por !p2, p0  }
0x20: {  	[sflag:s8] =	ssyncset.s32 @!p0 $0xFFFFF086;
	s6 =	sadd.s32 @!p0 s3, s7;
	s7 =	simm.s32 @!p0 $0x108  }
0x21: {  	s3 =	sadd.s32 s3, s9;
	s6 =	sadd.s32 @!p0 $0x88, s6;
	s7 =	simm.s32 @p2 $0x1082  }
0x22: {  	[simem:s7], [sflag:s8] =	dma.local @!p0 [hbm:s6], $0xF7A  }
0x23: {  	s9 =	sor.u32 $0xD0000000, s2;
	s6 =	simm.s32 $0x108;
	_ =	swait.ge @!p0 [sflag:s8], $0x0  }
0x24: {  	s3 =	sadd.s32 $0x88, s3;
	s6 =	simm.s32 @!p1 $0x1082;
	[sflag:s4] =	ssyncset.s32 $0xFFFFF086  }
0x25: {  	[simem:s6], [sflag:s4] =	dma.local [hbm:s3], $0xF7A  }
0x26: {  	[smem:$0x3F93] =	sst s1;
	(tag) =	ssettag s2;
	_ =	strace s9  }
0x27: {  	s1 =	sld [smem:$0x3FA3]  }
0x28: {  	s2 =	sld [smem:$0x3FA4]  }
0x29: {  	s4 =	sld [smem:$0x3FA6]  }
0x2a: {  	p0 =	seq.s32 s5, $0x0;
	s5 =	sld [smem:$0x3FA7]  }
0x2b: {  	s6 =	sld [smem:$0x3FA8]  }
0x2c: {  	s7 =	sld [smem:$0x3FA9]  }
0x2d: {  	s3 =	simm.s32 $0x108;
	s8 =	sld [smem:$0x3FAA]  }
0x2e: {  	s3 =	simm.s32 @!p0 $0x1082;
	s9 =	sld [smem:$0x3FAB]  }
0x2f: {  	lr =	sadd.s32 s0, s3;
	s0 =	sld [smem:$0x3FA2]  }
0x30: {  	s3 =	sld [smem:$0x3FA5]  }
0x31: {  	[smem:$0x3FAE] =	sst s10  }
0x32: {  	s10 =	sld [smem:$0x3FAC];
	_ =	sdelay $0x3  }
0x33: {  	p0 =	seq.s32 s10, $0x1;
	s10 =	sld [smem:$0x3FAE];
	_ =	sdelay $0x3  }
0x34: {  	[smem:$0x3FAE] =	sst s10  }
0x35: {  	s10 =	sld [smem:$0x3FAD];
	_ =	sdelay $0x3  }
0x36: {  	p1 =	seq.s32 s10, $0x1;
	s10 =	sld [smem:$0x3FAE];
	_ =	sdelay $0x3  }
0x37: {  	[smem:$0x3FAE] =	sst s10  }
0x38: {  	s10 =	sld [smem:$0x3FAF]  }
0x39: {  	_ = 	snop;
	(pc) =	sbr.ind lr, $3  }
0x3a: {  	_ = 	snop  }
0x3b: {  	_ = 	snop  }
0x3c: {  	p2 =	seq.s32 s10, $0x1;
	s10 =	sld [smem:$0x3FAE]  }
0x3d: {  	_ =	shalt  }
0x3e: {  	_ =	shalt  }
0x3f: {  	_ =	shalt  }
0x40: {  	_ =	shalt  }
0x41: {  	_ =	shalt  }
0x42: {  	_ =	shalt  }
0x43: {  	_ =	shalt  }
0x44: {  	_ =	shalt  }
0x45: {  	_ =	shalt  }
0x46: {  	_ =	shalt  }
0x47: {  	_ =	shalt  }
0x48: {  	_ =	shalt  }
0x49: {  	_ =	shalt  }
0x4a: {  	_ =	shalt  }
0x4b: {  	_ =	shalt  }
0x4c: {  	_ =	shalt  }
0x4d: {  	_ =	shalt  }
0x4e: {  	_ =	shalt  }
0x4f: {  	_ =	shalt  }
0x50: {  	_ =	shalt  }
0x51: {  	_ =	shalt  }
0x52: {  	_ =	shalt  }
0x53: {  	_ =	shalt  }
0x54: {  	_ =	shalt  }
0x55: {  	_ =	shalt  }
0x56: {  	_ =	shalt  }
0x57: {  	_ =	shalt  }
0x58: {  	_ =	shalt  }
0x59: {  	_ =	shalt  }
0x5a: {  	_ =	shalt  }
0x5b: {  	_ =	shalt  }
0x5c: {  	_ =	shalt  }
0x5d: {  	_ =	shalt  }
0x5e: {  	_ =	shalt  }
0x5f: {  	_ =	shalt  }
0x60: {  	_ =	shalt  }
0x61: {  	_ =	shalt  }
0x62: {  	_ =	shalt  }
0x63: {  	_ =	shalt  }
0x64: {  	_ =	shalt  }
0x65: {  	_ =	shalt  }
0x66: {  	_ =	shalt  }
0x67: {  	_ =	shalt  }
0x68: {  	_ =	shalt  }
0x69: {  	_ =	shalt  }
0x6a: {  	_ =	shalt  }
0x6b: {  	_ =	shalt  }
0x6c: {  	_ =	shalt  }
0x6d: {  	_ =	shalt  }
0x6e: {  	_ =	shalt  }
0x6f: {  	_ =	shalt  }
0x70: {  	_ =	shalt  }
0x71: {  	_ =	shalt  }
0x72: {  	_ =	shalt  }
0x73: {  	_ =	shalt  }
0x74: {  	_ =	shalt  }
0x75: {  	_ =	shalt  }
0x76: {  	_ =	shalt  }
0x77: {  	_ =	shalt  }
0x78: {  	_ =	shalt  }
0x79: {  	_ =	shalt  }
0x7a: {  	_ =	shalt  }
0x7b: {  	_ =	shalt  }
0x7c: {  	_ =	shalt  }
0x7d: {  	_ =	shalt  }
0x7e: {  	_ =	shalt  }
0x7f: {  	_ =	shalt  }
0x80: {  	_ =	shalt  }
0x81: {  	_ =	shalt  }
0x82: {  	_ =	shalt  }
0x83: {  	_ =	shalt  }
0x84: {  	_ =	shalt  }
0x85: {  	_ =	shalt  }
0x86: {  	_ =	shalt  }
0x87: {  	_ =	shalt  }
.Lfunc_end0:
.L_simem_size_0:
called_computation_lowered:
.L_overlay_start_0:
0x88: {  	s2 =	sld [smem:$0x3FD9]  }
0x89: {  	s3 =	sld [smem:$0x3FFE];
	_ =	sdelay $0x1  }
0x8a: {  	s1 =	srdreg.scid  }
0x8b: {  	s0 =	sand.u32 $0x1, s1  }
0x8c: {  	s14 =	sshll.u32 s0, $0xA;
	s2 =	sadd.s32 s3, s2  }
0x8d: {  	s2 =	sadd.s32 s2, s14  }
0x8e: {  	[smem:$0x3FBA] =	sst s2  }
0x8f: {  	_ = 	snop  }
0x90: {  	s2 =	sld [smem:$0x3FD0];
	_ =	sdelay $0x2  }
0x91: {  	s15 =	simm.s32 $0xA;
	s4 =	simm.s32 $0x10  }
0x92: {  	[smem:s4], [sflag:s15] =	dma.local [hbm:s2], $0x1  }
0x93: {  	_ =	swait.eq [sflag:s15], $0x1  }
0x94: {  	[sflag:s15] =	ssyncset.done $0x0  }
0x95: {  	s16 =	sld [smem:$0x10];
	[sflag:s15] =	ssyncadd.s32 $0xFFFFFFFF  }
0x96: {  	s17 =	sld [smem:$0x11];
	(tm) =	ssettm $0x1  }
0x97: {  	s18 =	sld [smem:$0x3FFB];
	_ =	sdelay $0x3  }
0x98: {  	_ =	strace s18  }
0x99: {  	s4 =	sld [smem:$0x3FFC];
	_ =	sdelay $0x3  }
0x9a: {  	_ =	strace s4  }
0x9b: {  	s4 =	sld [smem:$0x3FFD];
	_ =	sdelay $0x3  }
0x9c: {  	_ =	strace s4  }
0x9d: {  	_ =	strace $0x8FFFFFFF  }
0x9e: {  	s19 =	sld [smem:$0x3FDB];
	_ =	sdelay $0x1  }
0x9f: {  	s5 =	simm.s32 $_scs_section_size  }
0xa0: {  	s6 =	simm.s32 $_size__tile_overlayer_lowered;
	s7 =	simm.s32 $_tile_overlayer_lowered  }
0xa1: {  	s22 =	simm.s32 $0x1BFF;
	s21 =	sshll.u32 s7, $0x1;
	s4 =	sadd.s32 s5, s19  }
0xa2: {  	s8 =	simm.s32 $0x0;
	s20 =	sshll.u32 s6, $0x1;
	s6 =	sadd.s32 s21, s4  }
0xa3: {  	[timem:s8], [sflag:s22] =	dma.local [hbm:s6], s20  }
0xa4: {  	_ =	swait.ge [sflag:s22], s20  }
0xa5: {  	s5 =	ssub.s32 $0x0, s20;
	[sflag:s22] =	ssyncset.done $0x0  }
0xa6: {  	[sflag:s22] =	ssyncadd.s32 s5;
	_ =	sdelay $0x1  }
0xa7: {  	s23 =	simm.s32 $0x1B8B  }
0xa8: {  	_ =	swait.ge [sflag:s23], $0x1  }
0xa9: {  	[sflag:s23] =	ssyncset.done $0x0  }
0xaa: {  	s25 =	simm.s32 $0x1B8E;
	s24 =	sld [smem:$0x3FFE];
	[sflag:s23] =	ssyncadd.s32 $0xFFFFFFFF  }
0xab: {  	s26 =	simm.s32 $execute0_lowered;
	[smem:$0x3FD2] =	sst s25  }
0xac: {  	s6 =	sshll.u32 s26, $0x1;
	_ =	strace $0x80000046;
	[dreg:$0x1] =	wrdreg $0xFFFFFFFF  }
0xad: {  	s28 =	simm.s32 $_size_execute0_lowered;
	s4 =	sadd.s32 s4, s6;
	[dreg:$0x0] =	wrdreg $0x0  }
0xae: {  	s6 =	sshll.u32 s28, $0x1;
	[dreg:$0x2] =	wrdreg s4  }
0xaf: {  	[dreg:$0x3] =	wrdreg s6  }
0xb0: {  	[dreg:$0x4] =	wrdreg $0xC0  }
0xb1: {  	_ =	task [dreg:s8], $0x5FFFF  }
0xb2: {  	[dreg:$0x1] =	wrdreg $0xFFFFFFFF  }
0xb3: {  	[dreg:$0x0] =	wrdreg $0x60  }
0xb4: {  	[dreg:$0x2] =	wrdreg s17  }
0xb5: {  	[dreg:$0x3] =	wrdreg s16  }
0xb6: {  	[dreg:$0x4] =	wrdreg s24  }
0xb7: {  	[dreg:$0x5] =	wrdreg $0x0  }
0xb8: {  	[dreg:$0x6] =	wrdreg $0x9  }
0xb9: {  	_ =	task.clear_ibuf [dreg:s8], $0x7FFFF;
	_ =	strace $0x90000046  }
0xba: {  	s29 =	simm.s32 $0x9;
	_ =	strace $0x80000048  }
0xbb: {  	_ =	swait.ge [sflag:s29], $0x1  }
0xbc: {  	[sflag:s29] =	ssyncadd.s32 $0xFFFFFFFF  }
0xbd: {  	_ =	strace $0x90000048  }
0xbe: {  	_ =	sfence  }
0xbf: {  	s30 =	sld [smem:$0x0];
	_ =	sdelay $0x2  }
0xc0: {  	s31 =	sshll.u32 s1, $0xD;
	s1 =	sshrl.u32 s1, $0x2  }
0xc1: {  	s3 =	sand.u32 $0x4000, s31;
	s1 =	sadd.s32 s1, s30  }
0xc2: {  	s0 =	sor.u32 s3, s0;
	s1 =	sshll.u32 s1, $0x11  }
0xc3: {  	s0 =	sor.u32 s1, s0  }
0xc4: {  	s0 =	sadd.s32 $0x8F2B, s0  }
0xc5: {  	[sflag:s0] =	ssyncadd.remote.s32 $0x1  }
0xc6: {  	_ =	sfence.sel $0xFFFF  }
0xc7: {  	[dreg:$0x0] =	wrdreg $0xFFFFFFFF;
	(pc) =	sbr.abs _section_cstart, $3  }
0xc8: {  	[dreg:$0x1] =	wrdreg $0xFFFFFFFF  }
0xc9: {  	_ =	task.clear_ibuf [dreg:s8], $0x2FFFF;
	_ =	strace $0x9FFFFFFF  }
0xca: {  	(tm) =	ssettm $0x7FFFFFFF  }
0xcb: {  	_ =	shalt  }
tec
execute0_lowered:
.L_overlay_start_1:
0x0: {  	(tag) =	ssettag $0x1  }
0x1: {  	s6 =	rddreg [dreg:$0x0]  }
0x2: {  	s7 =	rddreg [dreg:$0x1]  }
0x3: {  	s4 =	rddreg [dreg:$0x2];
	s0 =	srdreg.scid  }
0x4: {  	s2 =	rddreg [dreg:$0x3];
	s1 =	stileid.u32;
	s3 =	simm.s32 $0x0  }
0x5: {  	s28 =	simm.s32 $0x0;
	s8 =	sand.u32 $0x1, s0;
	s5 =	smul.u32 $0x13800, s1  }
0x6: {  	[smem:$0x7FF] =	sst s3;
	s11 =	smul.u32 $0x4E000, s1;
	s12 =	sadd.s32 $0x3400, s4  }
0x7: {  	s21 =	sshrl.u32 s1, $0x3;
	s22 =	sshll.u32 s1, $0x6;
	s9 =	smul.u32 $0x138800, s8  }
0x8: {  	s16 =	sadd.s32 $0x138000, s2;
	s23 =	sshll.u32 s1, $0x7;
	s20 =	smul.u32 $0x4E800, s8  }
0x9: {  	p0 =	sne.s32 s1, $0xF;
	s10 =	ssub.s32 $0x2, s8;
	s15 =	smul.u32 $0x27400, s21  }
0xa: {  	_ =	strace $0x80000047;
	s8 =	smul.u32 $0x2710000, s8;
	s21 =	simm.s32 $0x138D0  }
0xb: {  	s17 =	sshrl.u32 s10, $0x1;
	s19 =	sshrl.u32 s11, $0x2;
	s11 =	sand.u32 $0x380, s23  }
0xc: {  	s23 =	simm.s32 $0x1;
	s13 =	ssub.s32 s10, s17;
	s18 =	sadd.s32 s5, s9  }
0xd: {  	s14 =	sadd.s32 s19, s2;
	s5 =	sor.u32 $0x1C05, s22;
	s17 =	smul.u32 $0x271000, s1  }
0xe: {  	s9 =	sshrl.u32 s9, $0x3;
	s10 =	sadd.s32 s20, s15;
	s15 =	sshrl.u32 @!p0 s16, $0x3  }
0xf: {  	s16 =	simm.s32 $0x80;
	s19 =	simm.s32 $0x50;
	s20 =	simm.s32 $0x18700  }
0x10: {  	s22 =	simm.s32 $0x1AF00;
	s4 =	sshrl.u32 s18, $0x3;
	s24 =	sor.u32 s11, s10  }
0x11: {  	s11 =	smax.u32 s13, $0x1;
	s13 =	sshrl.u32 s14, $0x3;
	s14 =	simm.s32 $0x5  }
0x12: {  	s18 =	simm.s32 $0x13880;
	s4 =	sadd.s32 s6, s4;
	s6 =	sadd.s32 s6, s9  }
0x13: {  	s25 =	sadd.s32 s17, s8;
	s26 =	sshrl.u32 s24, $0x3;
	s17 =	simm.s32 $0x400  }
0x14: {  	s24 =	simm.s32 $0x2;
	s6 =	sadd.s32 $0x27000, s6;
	s29 =	sshrl.u32 s25, $0x3  }
0x15: {  	s7 =	sadd.s32 s7, s26;
	s30 =	sadd.s32 $0x2800, s25;
	s25 =	simm.s32 $0x3  }
0x16: {  	s26 =	simm.s32 $0x4;
	s8 =	sadd.s32 s29, s12;
	s31 =	sshrl.u32 s30, $0x3  }
0x17: {  	s9 =	sadd.s32 $0x4D800, s8;
	s10 =	sadd.s32 $0x4DD00, s8;
	s12 =	sadd.s32 s31, s12  }
.LBB2_1:
0x18: {  	[spmem:s13], [sflag:s5] =	dma.local [hbm:s4], $0x2700  }
0x19: {  	_ =	swait.ge [sflag:s14], $0x2700  }
0x1a: {  	[sflag:s14] =	ssyncset.done $0x0  }
0x1b: {  	s29 =	simm.s32 @!p0 $0x5;
	[sflag:s14] =	ssyncadd.s32 $0xFFFFD900  }
0x1c: {  	[spmem:s15], [sflag:s5] =	dma.local @!p0 [hbm:s6], $0x100  }
0x1d: {  	_ =	swait.ge @!p0 [sflag:s29], $0x100  }
0x1e: {  	[sflag:s29] =	ssyncset.done @!p0 $0x0  }
0x1f: {  	[sflag:s29] =	ssyncadd.s32 @!p0 $0xFFFFFF00  }
0x20: {  	[tilespmem:s18], [sflag:$0x5] =	stream.strided.gather [hbm4b:s7+s16], $0x4E80, s17, s16, $0x38;
	[tilespmem:$0x1D700] =	vst v63  }
0x21: {  	_ =	swait.ge [sflag:s14], $0x4E80  }
0x22: {  	[sflag:s14] =	ssyncset.done $0x0  }
0x23: {  	[sflag:s14] =	ssyncadd.s32 $0xFFFFB180  }
0x24: {  	[bflag:$0x0] =	sbarrier.arrive $0xFFFF  }
0x25: {  	[bflag:$0x0] =	sbarrier.arrive $0xFFFF  }
0x26: {  	[tilespmem:s20], [sflag:$0x1] =	stream.indirect.gather [spmem:s2], $0x80, s18, s19, $0xb8;
	[tilespmem:$0x1D700] =	vst v63  }
0x27: {  	_ = 	snop  }
0x28: {  	[tilespmem:s22], [sflag:$0x2] =	stream.indirect.gather [spmem:s2], $0x80, s21, s19, $0xb8;
	[tilespmem:$0x1D700] =	vst v63  }
0x29: {  	_ =	swait.ge [sflag:s23], $0x2800  }
0x2a: {  	[sflag:s23] =	ssyncset.done $0x0  }
0x2b: {  	s29 =	sadd.s32 $0x0, s8;
	[sflag:s23] =	ssyncadd.s32 $0xFFFFD800  }
0x2c: {  	[hbm4b:s29+s3] =	stream.linear.scatter [tilespmem:s20], [sflag:$0x3], $0x2800, $0x38;
	[tilespmem:$0x1D700] =	vst v63  }
0x2d: {  	_ =	swait.ge [sflag:s24], $0x2800  }
0x2e: {  	[sflag:s24] =	ssyncset.done $0x0  }
0x2f: {  	s29 =	sadd.s32 $0x0, s12;
	[sflag:s24] =	ssyncadd.s32 $0xFFFFD800  }
0x30: {  	[hbm4b:s29+s3] =	stream.linear.scatter [tilespmem:s22], [sflag:$0x4], $0x2800, $0x38;
	[tilespmem:$0x1D700] =	vst v63  }
0x31: {  	_ =	swait.ge [sflag:s25], $0x2800  }
0x32: {  	[sflag:s25] =	ssyncset.done $0x0  }
0x33: {  	s29 =	simm.s32 $0x13920;
	[sflag:s25] =	ssyncadd.s32 $0xFFFFD800  }
0x34: {  	[tilespmem:s20], [sflag:$0x1] =	stream.indirect.gather [spmem:s2], $0x80, s29, s19, $0xb8;
	[tilespmem:$0x1D700] =	vst v63  }
0x35: {  	_ =	swait.ge [sflag:s26], $0x2800  }
0x36: {  	s30 =	simm.s32 $0xA00;
	[sflag:s26] =	ssyncset.done $0x0  }
0x37: {  	s31 =	simm.s32 $0x13A10;
	s29 =	simm.s32 $0x13970;
	[sflag:s26] =	ssyncadd.s32 $0xFFFFD800  }
.LBB2_2:
0x38: {  	[tilespmem:s22], [sflag:$0x2] =	stream.indirect.gather [spmem:s2], $0x80, s29, s19, $0xb8;
	[tilespmem:$0x1D700] =	vst v63  }
0x39: {  	s0 =	smov.u32 s30;
	s29 =	smov.u32 s31  }
0x3a: {  	p1 =	sne.s32 s30, $0x4CE00;
	s30 =	sadd.s32 $0xA00, s30;
	_ =	swait.ge [sflag:s23], $0x2800  }
0x3b: {  	[sflag:s23] =	ssyncset.done $0x0  }
0x3c: {  	s1 =	sadd.s32 s0, s8;
	[sflag:s23] =	ssyncadd.s32 $0xFFFFD800  }
0x3d: {  	[hbm4b:s1+s3] =	stream.linear.scatter [tilespmem:s20], [sflag:$0x3], $0x2800, $0x38;
	[tilespmem:$0x1D700] =	vst v63  }
0x3e: {  	_ =	swait.ge [sflag:s24], $0x2800  }
0x3f: {  	[sflag:s24] =	ssyncset.done $0x0  }
0x40: {  	s0 =	sadd.s32 s0, s12;
	[sflag:s24] =	ssyncadd.s32 $0xFFFFD800  }
0x41: {  	[hbm4b:s0+s3] =	stream.linear.scatter [tilespmem:s22], [sflag:$0x4], $0x2800, $0x38;
	[tilespmem:$0x1D700] =	vst v63  }
0x42: {  	_ =	swait.ge [sflag:s25], $0x2800  }
0x43: {  	[sflag:s25] =	ssyncset.done $0x0  }
.Ltmp0:
0x44: {  	s0 =	sadd.s32 $0xFFFFFFB0, s31;
	[sflag:s25] =	ssyncadd.s32 $0xFFFFD800;
	(pc) =	sbr.rel @p1 .LBB2_2-.Ltmp0, $4  }
0x45: {  	[tilespmem:s20], [sflag:$0x1] =	stream.indirect.gather [spmem:s2], $0x80, s0, s19, $0xb8;
	[tilespmem:$0x1D700] =	vst v63  }
0x46: {  	_ =	swait.ge [sflag:s26], $0x2800  }
0x47: {  	[sflag:s26] =	ssyncset.done $0x0  }
0x48: {  	s31 =	sadd.s32 $0xA0, s31;
	[sflag:s26] =	ssyncadd.s32 $0xFFFFD800  }
0x49: {  	[tilespmem:s22], [sflag:$0x2] =	stream.indirect.gather [spmem:s2], $0x80, s29, s19, $0xb8;
	[tilespmem:$0x1D700] =	vst v63  }
0x4a: {  	_ =	swait.ge [sflag:s23], $0x2800  }
0x4b: {  	[sflag:s23] =	ssyncset.done $0x0  }
0x4c: {  	[sflag:s23] =	ssyncadd.s32 $0xFFFFD800  }
0x4d: {  	[hbm4b:s9+s3] =	stream.linear.scatter [tilespmem:s20], [sflag:$0x3], $0x2800, $0x38;
	[tilespmem:$0x1D700] =	vst v63  }
0x4e: {  	_ =	swait.ge [sflag:s24], $0x2800  }
0x4f: {  	[sflag:s24] =	ssyncset.done $0x0  }
0x50: {  	s28 =	sadd.s32 $0x1, s28;
	[sflag:s24] =	ssyncadd.s32 $0xFFFFD800  }
0x51: {  	[hbm4b:s10+s3] =	stream.linear.scatter [tilespmem:s22], [sflag:$0x4], $0x2800, $0x38;
	[tilespmem:$0x1D700] =	vst v63  }
0x52: {  	p1 =	sne.s32 s28, s11;
	_ =	swait.ge [sflag:s25], $0x2800  }
.Ltmp1:
0x53: {  	[sflag:s25] =	ssyncset.done $0x0;
	(pc) =	sbr.rel @p1 .LBB2_1-.Ltmp1, $4  }
0x54: {  	[sflag:s25] =	ssyncadd.s32 $0xFFFFD800  }
0x55: {  	_ =	swait.ge [sflag:s26], $0x2800  }
0x56: {  	[sflag:s26] =	ssyncset.done $0x0  }
0x57: {  	[sflag:s26] =	ssyncadd.s32 $0xFFFFD800  }
0x58: {  	_ =	sfence.sel $0x180000  }
0x59: {  	[bflag:$0x0] =	sbarrier.arrive $0xFFFF  }
0x5a: {  	_ =	strace $0x90000047  }
0x5b: {  	s0 =	stileid.u32;
	[bflag:$0x2] =	sbarrier.arrive $0xFFFF  }
0x5c: {  	p0 =	sne.s32 s0, $0x0;
	s0 =	rddreg [dreg:$0x4]  }
0x5d: {  	s0 =	sadd.s32 @!p0 $0x100000, s0  }
0x5e: {  	[sflag:s0] =	ssyncadd.tile.s32 @!p0 $0x1;
	_ =	shalt  }
.Lfunc_end2:
_tile_overlayer_lowered:
.L_overlay_start_2:
0x5f: {  	(tag) =	ssettag $0x2  }
0x60: {  	s0 =	rddreg [dreg:$0x0];
	s2 =	stileid.u32  }
0x61: {  	s1 =	rddreg [dreg:$0x1];
	p0 =	sne.s32 s2, $0x0  }
0x62: {  	s3 =	rddreg [dreg:$0x2];
	[bflag:$0x3] =	sbarrier.arrive $0xFFFF;
	s2 =	simm.s32 @!p0 $0x1C05  }
0x63: {  	[timem:s3], [sflag:s2] =	dma.local @!p0 [hbm:s0], s1  }
0x64: {  	s0 =	simm.s32 @!p0 $0x5  }
0x65: {  	_ =	swait.ge @!p0 [sflag:s0], s1  }
0x66: {  	s1 =	ssub.s32 @!p0 $0x0, s1;
	[sflag:s0] =	ssyncset.done @!p0 $0x0  }
0x67: {  	[sflag:s0] =	ssyncadd.s32 @!p0 s1  }
0x68: {  	[bflag:$0x3] =	sbarrier.arrive $0xFFFF  }
0x69: {  	_ =	shalt  }

</sc_bundles>
